<compile_context>
chip_gen: v7x
topology: tpu7x:2x2x1
jax: 0.10.2.dev20260603
libtpu: 0.0.44.dev20260713+nightly
codegen_flags: <defaults>
</compile_context>

<pallas_src>
import functools

import jax
import jax.numpy as jnp
from jax import lax
from jax.experimental import pallas as pl
from jax.experimental.pallas import tpu as pltpu
import jax.experimental.pallas.tpu_sc as plsc

_N = 10000
_NPAD = 10240
_E = 320000
_G = 64
_BN_EPS = 1e-5




_K = 100
_NB = 8


@functools.partial(jax.jit, static_argnums=(2,))
def _sc_agg(h2, edge_index, Dh):
    info = plsc.get_sparse_core_info()
    NC, NS = info.num_cores, info.num_subcores
    EW = _E // NS
    K = _K
    NCHUNK = EW // K
    edges3 = edge_index.reshape(2 * NS, NCHUNK, K)
    NB = _NB
    NR = NCHUNK // NB
    RPS = _NPAD // NS
    ZR = 128

    mesh = plsc.VectorSubcoreMesh(core_axis_name="c", subcore_axis_name="s")

    @functools.partial(
        pl.kernel,
        out_type=jax.ShapeDtypeStruct((NC, _NPAD, Dh), jnp.bfloat16),
        mesh=mesh,
        compiler_params=pltpu.CompilerParams(use_tc_tiling_on_sc=False),
        scratch_types=[
            pltpu.VMEM((NCHUNK, K), jnp.int32),
            pltpu.VMEM((NCHUNK, K), jnp.int32),
            pltpu.VMEM((NB, K, Dh), jnp.bfloat16),
            pltpu.VMEM((ZR, Dh), jnp.bfloat16),
            pltpu.VMEM_SHARED((_NPAD, Dh), jnp.bfloat16),
            pltpu.SemaphoreType.DMA((NB,)),
            pltpu.SemaphoreType.DMA((NB,)),
        ],
    )
    def agg_kernel(h_hbm, e_hbm, out_hbm, sidx, didx, bufs, zbuf,
                   acc, gsem, ssem):
        c = lax.axis_index("c")
        s = lax.axis_index("s")

        zv = jnp.zeros((32,), jnp.bfloat16)

        def zrow(i, _):
            r = i // (Dh // 32)
            j = i % (Dh // 32)
            zbuf[r, pl.ds(j * 32, 32)] = zv
            return 0

        lax.fori_loop(0, ZR * (Dh // 32), zrow, 0)

        def zcopy(i, _):
            pltpu.sync_copy(zbuf, acc.at[pl.ds(s * RPS + i * ZR, ZR)])
            return 0

        lax.fori_loop(0, RPS // ZR, zcopy, 0)

        pltpu.sync_copy(e_hbm.at[s], sidx)
        pltpu.sync_copy(e_hbm.at[NS + s], didx)
        plsc.subcore_barrier()

        def g_start(i, b):
            pltpu.async_copy(h_hbm.at[c].at[sidx.at[i]], bufs.at[b],
                             gsem.at[b])

        def g_wait(i, b):
            pltpu.make_async_copy(h_hbm.at[c].at[sidx.at[i]], bufs.at[b],
                                  gsem.at[b]).wait()

        def s_start(i, b):
            pltpu.async_copy(bufs.at[b], acc.at[didx.at[i]], ssem.at[b],
                             add=True)

        def s_wait(i, b):
            pltpu.make_async_copy(bufs.at[b], acc.at[didx.at[i]],
                                  ssem.at[b]).wait()

        for b in range(NB):
            g_start(b, b)

        def scatter_half(j):
            for b in range(NB):
                g_wait(j * NB + b, b)
                s_start(j * NB + b, b)

        def round_full(j, _):
            scatter_half(j)
            for b in range(NB):
                s_wait(j * NB + b, b)
                g_start((j + 1) * NB + b, b)
            return 0

        lax.fori_loop(0, NR - 1, round_full, 0)
        scatter_half(NR - 1)
        for b in range(NB):
            s_wait((NR - 1) * NB + b, b)
        plsc.subcore_barrier()

        pltpu.sync_copy(acc.at[pl.ds(s * RPS, RPS)],
                        out_hbm.at[c].at[pl.ds(s * RPS, RPS)])

    return agg_kernel(h2, edges3)




def _mlp_pool_body(x_ref, agg_ref, b_ref, w1_ref, b1_ref, g_ref, be_ref,
                   w2_ref, b2_ref, h_ref, p_ref):
    i = pl.program_id(0)
    f32 = jnp.float32
    xx = jnp.concatenate(
        [x_ref[0].astype(f32) + agg_ref[0].astype(f32),
         x_ref[1].astype(f32) + agg_ref[1].astype(f32)], axis=1)
    h = jnp.dot(xx, w1_ref[...], preferred_element_type=jnp.float32)
    h = (h + b1_ref[...]) * g_ref[...] + be_ref[...]
    h = jnp.maximum(h, 0.0)
    h = jnp.dot(h, w2_ref[...], preferred_element_type=jnp.float32) + b2_ref[...]
    h = jnp.maximum(h, 0.0)
    Hh = h.shape[1] // 2
    hb = h.astype(jnp.bfloat16)
    h_ref[0] = hb[:, :Hh]
    h_ref[1] = hb[:, Hh:]
    pblk = lax.dot_general(b_ref[...].astype(jnp.float32), h,
                           (((0,), (0,)), ((), ())),
                           preferred_element_type=jnp.float32)

    @pl.when(i == 0)
    def _():
        p_ref[...] = pblk

    @pl.when(i > 0)
    def _():
        p_ref[...] += pblk


@functools.partial(jax.jit, static_argnums=(9,))
def _mlp_pool(x2, agg, onehot, w1, b1, g, be, w2, b2, Dh):
    BN = 2000
    H = w1.shape[1]
    grid = _N // BN
    return pl.pallas_call(
        _mlp_pool_body,
        grid=(grid,),
        in_specs=[
            pl.BlockSpec((2, BN, Dh), lambda i: (0, i, 0)),
            pl.BlockSpec((2, BN, Dh), lambda i: (0, i, 0)),
            pl.BlockSpec((BN, _G), lambda i: (i, 0)),
            pl.BlockSpec((2 * Dh, H), lambda i: (0, 0)),
            pl.BlockSpec((1, H), lambda i: (0, 0)),
            pl.BlockSpec((1, H), lambda i: (0, 0)),
            pl.BlockSpec((1, H), lambda i: (0, 0)),
            pl.BlockSpec((H, H), lambda i: (0, 0)),
            pl.BlockSpec((1, H), lambda i: (0, 0)),
        ],
        out_specs=[
            pl.BlockSpec((2, BN, H // 2), lambda i: (0, i, 0)),
            pl.BlockSpec((_G, H), lambda i: (0, 0)),
        ],
        out_shape=[
            jax.ShapeDtypeStruct((2, _N, H // 2), jnp.bfloat16),
            jax.ShapeDtypeStruct((_G, H), jnp.float32),
        ],
    )(x2, agg, onehot, w1, b1, g, be, w2, b2)


def _head_body(p1_ref, p2_ref, p3_ref, w1_ref, b1_ref, w2_ref, b2_ref, o_ref):
    h = jnp.concatenate([p1_ref[...], p2_ref[...], p3_ref[...]], axis=1)
    h = jnp.dot(h, w1_ref[...], preferred_element_type=jnp.float32) + b1_ref[...]
    h = jnp.maximum(h, 0.0)
    h = jnp.dot(h, w2_ref[...], preferred_element_type=jnp.float32) + b2_ref[...]
    m = jnp.max(h, axis=1, keepdims=True)
    lse = m + jnp.log(jnp.sum(jnp.exp(h - m), axis=1, keepdims=True))
    o_ref[...] = h - lse


@jax.jit
def _head(p1, p2, p3, w1, b1, w2, b2):
    return pl.pallas_call(
        _head_body,
        out_shape=jax.ShapeDtypeStruct((_G, 2), jnp.float32),
    )(p1, p2, p3, w1, b1, w2, b2)


def kernel(x, edge_index, batch,
           c1_w1, c1_b1, c1_g, c1_be, c1_w2, c1_b2,
           c2_w1, c2_b1, c2_g, c2_be, c2_w2, c2_b2,
           c3_w1, c3_b1, c3_g, c3_be, c3_w2, c3_b2,
           lin1_w, lin1_b, lin2_w, lin2_b):
    onehot = (batch[:, None] == jnp.arange(_G, dtype=batch.dtype)[None, :]
              ).astype(jnp.bfloat16)
    inv = 1.0 / jnp.sqrt(1.0 + _BN_EPS)

    def vec(v):
        return v.reshape(1, -1)

    x2 = x.reshape(_N, 2, 64).transpose(1, 0, 2)
    agg1 = _sc_agg(x2.astype(jnp.bfloat16), edge_index, 64)
    h1, p1 = _mlp_pool(x2, agg1, onehot, c1_w1, vec(c1_b1), vec(c1_g * inv),
                       vec(c1_be), c1_w2, vec(c1_b2), 64)
    agg2 = _sc_agg(h1, edge_index, 32)
    h2, p2 = _mlp_pool(h1, agg2, onehot, c2_w1, vec(c2_b1), vec(c2_g * inv),
                       vec(c2_be), c2_w2, vec(c2_b2), 32)
    agg3 = _sc_agg(h2, edge_index, 32)
    h3, p3 = _mlp_pool(h2, agg3, onehot, c3_w1, vec(c3_b1), vec(c3_g * inv),
                       vec(c3_be), c3_w2, vec(c3_b2), 32)
    return _head(p1, p2, p3, lin1_w, vec(lin1_b), lin2_w, vec(lin2_b))

# --- scband reference (transcript-rebuilt; emitter-appended) ---
"""Pipeline reference for scband-gin-43559558316084 (READ-ONLY COPY).

The authoritative reference and input builder live on the scoring server;
editing this copy changes nothing except your own understanding.
"""

import jax, jax.numpy as jnp
import numpy as np

N = 10000
E = 320000
D = 128
H = 64
G = 64
BN_EPS = 1e-5


def setup_inputs(seed: int = 0) -> dict:
    key = jax.random.key(seed)
    ks = jax.random.split(key, 16)
    inp = {}
    inp["x"] = jax.random.normal(ks[0], (N, D), dtype=jnp.float32)
    inp["edge_index"] = jax.random.randint(ks[1], (2, E), 0, N, dtype=jnp.int32)
    inp["batch"] = jnp.sort(jax.random.randint(ks[2], (N,), 0, G, dtype=jnp.int32))
    # conv1 MLP: Linear(D,H), BN(H), ReLU, Linear(H,H), ReLU
    inp["c1_w1"] = jax.random.normal(ks[3], (D, H), dtype=jnp.float32) * 0.05
    inp["c1_b1"] = jnp.zeros((H,), dtype=jnp.float32)
    inp["c1_g"] = jnp.ones((H,), dtype=jnp.float32)
    inp["c1_be"] = jnp.zeros((H,), dtype=jnp.float32)
    inp["c1_w2"] = jax.random.normal(ks[4], (H, H), dtype=jnp.float32) * 0.05
    inp["c1_b2"] = jnp.zeros((H,), dtype=jnp.float32)
    # conv2
    inp["c2_w1"] = jax.random.normal(ks[5], (H, H), dtype=jnp.float32) * 0.05
    inp["c2_b1"] = jnp.zeros((H,), dtype=jnp.float32)
    inp["c2_g"] = jnp.ones((H,), dtype=jnp.float32)
    inp["c2_be"] = jnp.zeros((H,), dtype=jnp.float32)
    inp["c2_w2"] = jax.random.normal(ks[6], (H, H), dtype=jnp.float32) * 0.05
    inp["c2_b2"] = jnp.zeros((H,), dtype=jnp.float32)
    # conv3
    inp["c3_w1"] = jax.random.normal(ks[7], (H, H), dtype=jnp.float32) * 0.05
    inp["c3_b1"] = jnp.zeros((H,), dtype=jnp.float32)
    inp["c3_g"] = jnp.ones((H,), dtype=jnp.float32)
    inp["c3_be"] = jnp.zeros((H,), dtype=jnp.float32)
    inp["c3_w2"] = jax.random.normal(ks[8], (H, H), dtype=jnp.float32) * 0.05
    inp["c3_b2"] = jnp.zeros((H,), dtype=jnp.float32)
    # heads
    inp["lin1_w"] = jax.random.normal(ks[9], (3 * H, 64), dtype=jnp.float32) * 0.05
    inp["lin1_b"] = jnp.zeros((64,), dtype=jnp.float32)
    inp["lin2_w"] = jax.random.normal(ks[10], (64, 2), dtype=jnp.float32) * 0.05
    inp["lin2_b"] = jnp.zeros((2,), dtype=jnp.float32)
    return inp


def _gin_conv(x, edge_index, w1, b1, g, be, w2, b2):
    # GINConv, eps=0 (default, non-trainable): nn((1+eps)*x + sum_{j in N(i)} x_j)
    src = edge_index[0]
    dst = edge_index[1]
    agg = jnp.zeros_like(x).at[dst].add(x[src])
    h = x + agg
    h = h @ w1 + b1
    # BatchNorm1d in eval mode: running_mean=0, running_var=1
    h = (h / jnp.sqrt(1.0 + BN_EPS)) * g + be
    h = jax.nn.relu(h)
    h = h @ w2 + b2
    return jax.nn.relu(h)


def reference(x, edge_index, batch,
              c1_w1, c1_b1, c1_g, c1_be, c1_w2, c1_b2,
              c2_w1, c2_b1, c2_g, c2_be, c2_w2, c2_b2,
              c3_w1, c3_b1, c3_g, c3_be, c3_w2, c3_b2,
              lin1_w, lin1_b, lin2_w, lin2_b):
    h1 = _gin_conv(x, edge_index, c1_w1, c1_b1, c1_g, c1_be, c1_w2, c1_b2)
    h2 = _gin_conv(h1, edge_index, c2_w1, c2_b1, c2_g, c2_be, c2_w2, c2_b2)
    h3 = _gin_conv(h2, edge_index, c3_w1, c3_b1, c3_g, c3_be, c3_w2, c3_b2)
    p1 = jax.ops.segment_sum(h1, batch, num_segments=G)
    p2 = jax.ops.segment_sum(h2, batch, num_segments=G)
    p3 = jax.ops.segment_sum(h3, batch, num_segments=G)
    h = jnp.concatenate([p1, p2, p3], axis=1)
    h = jax.nn.relu(h @ lin1_w + lin1_b)
    # dropout identity in eval mode
    h = h @ lin2_w + lin2_b
    return jax.nn.log_softmax(h, axis=1)

if __name__ == "__main__":
    import jax
    _d = setup_inputs()
    print(jax.jit(kernel)(*tuple(_d.values())))

</pallas_src>

<mosaic_0001>
#map = affine_map<(d0, d1) -> (0, 0, 0)>
module attributes {stable_mosaic.version = 14 : i64} {
  func.func @agg_kernel(%arg0: i32, %arg1: i32, %arg2: memref<2x10000x64xbf16, #tpu.memory_space<hbm>>, %arg3: memref<32x200x100xi32, #tpu.memory_space<hbm>>, %arg4: memref<2x10240x64xbf16, #tpu.memory_space<hbm>>, %arg5: memref<200x100xi32, #tpu.memory_space<vmem>>, %arg6: memref<200x100xi32, #tpu.memory_space<vmem>>, %arg7: memref<8x100x64xbf16, #tpu.memory_space<vmem>>, %arg8: memref<128x64xbf16, #tpu.memory_space<vmem>>, %arg9: memref<10240x64xbf16, #tpu.memory_space<vmem_shared>>, %arg10: memref<8x!tpu.dma_semaphore, #tpu.memory_space<semaphore_mem>>, %arg11: memref<8x!tpu.dma_semaphore, #tpu.memory_space<semaphore_mem>>) attributes {dimension_semantics = [#tpu.dimension_semantics<core_parallel>, #tpu.dimension_semantics<subcore_parallel>], iteration_bounds = array<i64: 2, 16>, scalar_prefetch = 0 : i64, scratch_operands = 7 : i64, tpu.core_type = #tpu.core_type<sc_vector_subcore>, window_params = [{transform_indices = #map}, {transform_indices = #map}, {transform_indices = #map}]} {
    %broadcast_in_dim3A = arith.constant 0.000000e+00 : bf16
    %broadcast_in_dim3A_0 = vector.broadcast %broadcast_in_dim3A : bf16 to vector<32xbf16>
    %scan3A = arith.constant 0 : i32
    %scan3A_1 = arith.constant 0 : i32
    %scan3A_2 = arith.constant 256 : i32
    %scan3A_3 = arith.addi %scan3A_1, %scan3A_2 : i32
    %scan3A_4 = arith.constant 1 : i32
    %scan3A_5 = scf.for %scan3A_568 = %scan3A_1 to %scan3A_3 step %scan3A_4 iter_args(%scan3A_569 = %scan3A) -> (i32)  : i32 {
      %jit3A = arith.constant 2 : i32
      %div3A = arith.divsi %scan3A_568, %jit3A : i32
      %sign3A = arith.constant 0 : i32
      %sign3A_570 = arith.cmpi sgt, %scan3A_568, %sign3A : i32
      %sign3A_571 = arith.extui %sign3A_570 : i1 to i32
      %sign3A_572 = arith.constant 0 : i32
      %sign3A_573 = arith.cmpi slt, %scan3A_568, %sign3A_572 : i32
      %sign3A_574 = arith.extui %sign3A_573 : i1 to i32
      %sign3A_575 = arith.subi %sign3A_571, %sign3A_574 : i32
      %sign3A_576 = arith.constant 0 : i32
      %sign3A_577 = arith.cmpi sgt, %jit3A, %sign3A_576 : i32
      %sign3A_578 = arith.extui %sign3A_577 : i1 to i32
      %sign3A_579 = arith.constant 0 : i32
      %sign3A_580 = arith.cmpi slt, %jit3A, %sign3A_579 : i32
      %sign3A_581 = arith.extui %sign3A_580 : i1 to i32
      %sign3A_582 = arith.subi %sign3A_578, %sign3A_581 : i32
      %ne3A = arith.cmpi ne, %sign3A_575, %sign3A_582 : i32
      %rem3A = arith.remsi %scan3A_568, %jit3A : i32
      %ne3A_583 = arith.constant 0 : i32
      %ne3A_584 = arith.cmpi ne, %rem3A, %ne3A_583 : i32
      %and3A = arith.andi %ne3A, %ne3A_584 : i1
      %sub3A = arith.constant 1 : i32
      %sub3A_585 = arith.subi %div3A, %sub3A : i32
      %select_n3A = arith.select %and3A, %sub3A_585, %div3A : i32
      %jit3A_586 = arith.constant 2 : i32
      %eq3A = arith.constant 0 : i32
      %eq3A_587 = arith.cmpi eq, %jit3A_586, %eq3A : i32
      %jit3A_588 = arith.constant 1 : i32
      %select_n3A_589 = arith.select %eq3A_587, %jit3A_588, %jit3A_586 : i32
      %rem3A_590 = arith.remsi %scan3A_568, %select_n3A_589 : i32
      %ne3A_591 = arith.constant 0 : i32
      %ne3A_592 = arith.cmpi ne, %rem3A_590, %ne3A_591 : i32
      %lt3A = arith.constant 0 : i32
      %lt3A_593 = arith.cmpi slt, %rem3A_590, %lt3A : i32
      %lt3A_594 = arith.constant 0 : i32
      %lt3A_595 = arith.cmpi slt, %select_n3A_589, %lt3A_594 : i32
      %ne3A_596 = arith.xori %lt3A_593, %lt3A_595 : i1
      %and3A_597 = arith.andi %ne3A_596, %ne3A_592 : i1
      %add3A_598 = arith.addi %rem3A_590, %select_n3A_589 : i32
      %select_n3A_599 = arith.select %and3A_597, %add3A_598, %rem3A_590 : i32
      %mul3A_600 = arith.constant 32 : i32
      %mul3A_601 = arith.muli %select_n3A_599, %mul3A_600 : i32
      %swap3A = arith.index_cast %select_n3A : i32 to index
      %swap3A_602 = arith.index_cast %mul3A_601 : i32 to index
      %swap3A_603 = tpu.vector_load %arg8[%swap3A, %swap3A_602] {strides = array<i32>} : memref<128x64xbf16, #tpu.memory_space<vmem>>, vector<1x32xbf16>,
      %swap3A_604 = vector.shape_cast %swap3A_603 : vector<1x32xbf16> to vector<32xbf16>
      %swap3A_605 = vector.shape_cast %broadcast_in_dim3A_0 : vector<32xbf16> to vector<1x32xbf16>
      tpu.vector_store %arg8[%swap3A, %swap3A_602], %swap3A_605 {strides = array<i32>} : memref<128x64xbf16, #tpu.memory_space<vmem>>, vector<1x32xbf16>,
      %scan3A_606 = arith.constant 0 : i32
      scf.yield %scan3A_606 : i32
    }
    %scan3A_6 = arith.constant 256 : i32
    %scan3A_7 = arith.constant 0 : i32
    %scan3A_8 = arith.constant 0 : i32
    %scan3A_9 = arith.constant 5 : i32
    %scan3A_10 = arith.addi %scan3A_8, %scan3A_9 : i32
    %scan3A_11 = arith.constant 1 : i32
    %scan3A_12 = scf.for %scan3A_568 = %scan3A_8 to %scan3A_10 step %scan3A_11 iter_args(%scan3A_569 = %scan3A_7) -> (i32)  : i32 {
      %mul3A_570 = arith.constant 640 : i32
      %mul3A_571 = arith.muli %arg1, %mul3A_570 : i32
      %mul3A_572 = arith.constant 128 : i32
      %mul3A_573 = arith.muli %scan3A_568, %mul3A_572 : i32
      %add3A_574 = arith.addi %mul3A_571, %mul3A_573 : i32
      "tpu.region"() ({
        %run_scoped3A = tpu.sem_alloc : memref<!tpu.dma_semaphore, #tpu.memory_space<semaphore_mem>>
        %dma_start3A_576 = arith.constant 0 : i32
        %dma_start3A_577 = tpu.memref_slice %arg9[%add3A_574, %dma_start3A_576] : memref<10240x64xbf16, #tpu.memory_space<vmem_shared>> -> memref<128x64xbf16, #tpu.memory_space<vmem_shared>>
        %dma_start3A_578 = arith.constant 0 : i32
        %dma_start3A_579 = tpu.memref_slice %arg9[%add3A_574, %dma_start3A_578] : memref<10240x64xbf16, #tpu.memory_space<vmem_shared>> -> memref<128x64xbf16, #tpu.memory_space<vmem_shared>>
        tpu.enqueue_dma source(%arg8 : memref<128x64xbf16, #tpu.memory_space<vmem>>) target(%dma_start3A_579 : memref<128x64xbf16, #tpu.memory_space<vmem_shared>>) target_semaphore(%run_scoped3A : memref<!tpu.dma_semaphore, #tpu.memory_space<semaphore_mem>>)
        %dma_wait3A_580 = arith.constant 0 : i32
        %dma_wait3A_581 = tpu.memref_slice %arg9[%add3A_574, %dma_wait3A_580] : memref<10240x64xbf16, #tpu.memory_space<vmem_shared>> -> memref<128x64xbf16, #tpu.memory_space<vmem_shared>>
        %dma_wait3A_582 = arith.constant 0 : i32
        %dma_wait3A_583 = tpu.memref_slice %arg9[%add3A_574, %dma_wait3A_582] : memref<10240x64xbf16, #tpu.memory_space<vmem_shared>> -> memref<128x64xbf16, #tpu.memory_space<vmem_shared>>
        tpu.wait_dma2 semaphore(%run_scoped3A : memref<!tpu.dma_semaphore, #tpu.memory_space<semaphore_mem>>) src(%arg8 : memref<128x64xbf16, #tpu.memory_space<vmem>>) dst(%dma_wait3A_583 : memref<128x64xbf16, #tpu.memory_space<vmem_shared>>)
        tpu.yield
      }) : () -> ()
      %scan3A_575 = arith.constant 0 : i32
      scf.yield %scan3A_575 : i32
    }
    %scan3A_13 = arith.constant 5 : i32
    "tpu.region"() ({
      %run_scoped3A = tpu.sem_alloc : memref<!tpu.dma_semaphore, #tpu.memory_space<semaphore_mem>>
      %dma_start3A_568 = arith.constant 0 : i32
      %dma_start3A_569 = arith.constant 0 : i32
      %dma_start3A_570 = tpu.memref_slice %arg3[%arg1, %dma_start3A_568, %dma_start3A_569] : memref<32x200x100xi32, #tpu.memory_space<hbm>> -> memref<1x200x100xi32, #tpu.memory_space<hbm>>
      %dma_start3A_571 = tpu.memref_squeeze %dma_start3A_570 : memref<1x200x100xi32, #tpu.memory_space<hbm>> -> memref<200x100xi32, #tpu.memory_space<hbm>>
      %dma_start3A_572 = arith.constant 0 : i32
      %dma_start3A_573 = arith.constant 0 : i32
      %dma_start3A_574 = tpu.memref_slice %arg3[%arg1, %dma_start3A_572, %dma_start3A_573] : memref<32x200x100xi32, #tpu.memory_space<hbm>> -> memref<1x200x100xi32, #tpu.memory_space<hbm>>
      %dma_start3A_575 = tpu.memref_squeeze %dma_start3A_574 : memref<1x200x100xi32, #tpu.memory_space<hbm>> -> memref<200x100xi32, #tpu.memory_space<hbm>>
      tpu.enqueue_dma source(%dma_start3A_575 : memref<200x100xi32, #tpu.memory_space<hbm>>) target(%arg5 : memref<200x100xi32, #tpu.memory_space<vmem>>) target_semaphore(%run_scoped3A : memref<!tpu.dma_semaphore, #tpu.memory_space<semaphore_mem>>)
      %dma_wait3A_576 = arith.constant 0 : i32
      %dma_wait3A_577 = arith.constant 0 : i32
      %dma_wait3A_578 = tpu.memref_slice %arg3[%arg1, %dma_wait3A_576, %dma_wait3A_577] : memref<32x200x100xi32, #tpu.memory_space<hbm>> -> memref<1x200x100xi32, #tpu.memory_space<hbm>>
      %dma_wait3A_579 = tpu.memref_squeeze %dma_wait3A_578 : memref<1x200x100xi32, #tpu.memory_space<hbm>> -> memref<200x100xi32, #tpu.memory_space<hbm>>
      %dma_wait3A_580 = arith.constant 0 : i32
      %dma_wait3A_581 = arith.constant 0 : i32
      %dma_wait3A_582 = tpu.memref_slice %arg3[%arg1, %dma_wait3A_580, %dma_wait3A_581] : memref<32x200x100xi32, #tpu.memory_space<hbm>> -> memref<1x200x100xi32, #tpu.memory_space<hbm>>
      %dma_wait3A_583 = tpu.memref_squeeze %dma_wait3A_582 : memref<1x200x100xi32, #tpu.memory_space<hbm>> -> memref<200x100xi32, #tpu.memory_space<hbm>>
      tpu.wait_dma2 semaphore(%run_scoped3A : memref<!tpu.dma_semaphore, #tpu.memory_space<semaphore_mem>>) src(%dma_wait3A_583 : memref<200x100xi32, #tpu.memory_space<hbm>>) dst(%arg5 : memref<200x100xi32, #tpu.memory_space<vmem>>)
      tpu.yield
    }) : () -> ()
    %add3A = arith.constant 16 : i32
    %add3A_14 = arith.addi %add3A, %arg1 : i32
    "tpu.region"() ({
      %run_scoped3A = tpu.sem_alloc : memref<!tpu.dma_semaphore, #tpu.memory_space<semaphore_mem>>
      %dma_start3A_568 = arith.constant 0 : i32
      %dma_start3A_569 = arith.constant 0 : i32
      %dma_start3A_570 = tpu.memref_slice %arg3[%add3A_14, %dma_start3A_568, %dma_start3A_569] : memref<32x200x100xi32, #tpu.memory_space<hbm>> -> memref<1x200x100xi32, #tpu.memory_space<hbm>>
      %dma_start3A_571 = tpu.memref_squeeze %dma_start3A_570 : memref<1x200x100xi32, #tpu.memory_space<hbm>> -> memref<200x100xi32, #tpu.memory_space<hbm>>
      %dma_start3A_572 = arith.constant 0 : i32
      %dma_start3A_573 = arith.constant 0 : i32
      %dma_start3A_574 = tpu.memref_slice %arg3[%add3A_14, %dma_start3A_572, %dma_start3A_573] : memref<32x200x100xi32, #tpu.memory_space<hbm>> -> memref<1x200x100xi32, #tpu.memory_space<hbm>>
      %dma_start3A_575 = tpu.memref_squeeze %dma_start3A_574 : memref<1x200x100xi32, #tpu.memory_space<hbm>> -> memref<200x100xi32, #tpu.memory_space<hbm>>
      tpu.enqueue_dma source(%dma_start3A_575 : memref<200x100xi32, #tpu.memory_space<hbm>>) target(%arg6 : memref<200x100xi32, #tpu.memory_space<vmem>>) target_semaphore(%run_scoped3A : memref<!tpu.dma_semaphore, #tpu.memory_space<semaphore_mem>>)
      %dma_wait3A_576 = arith.constant 0 : i32
      %dma_wait3A_577 = arith.constant 0 : i32
      %dma_wait3A_578 = tpu.memref_slice %arg3[%add3A_14, %dma_wait3A_576, %dma_wait3A_577] : memref<32x200x100xi32, #tpu.memory_space<hbm>> -> memref<1x200x100xi32, #tpu.memory_space<hbm>>
      %dma_wait3A_579 = tpu.memref_squeeze %dma_wait3A_578 : memref<1x200x100xi32, #tpu.memory_space<hbm>> -> memref<200x100xi32, #tpu.memory_space<hbm>>
      %dma_wait3A_580 = arith.constant 0 : i32
      %dma_wait3A_581 = arith.constant 0 : i32
      %dma_wait3A_582 = tpu.memref_slice %arg3[%add3A_14, %dma_wait3A_580, %dma_wait3A_581] : memref<32x200x100xi32, #tpu.memory_space<hbm>> -> memref<1x200x100xi32, #tpu.memory_space<hbm>>
      %dma_wait3A_583 = tpu.memref_squeeze %dma_wait3A_582 : memref<1x200x100xi32, #tpu.memory_space<hbm>> -> memref<200x100xi32, #tpu.memory_space<hbm>>
      tpu.wait_dma2 semaphore(%run_scoped3A : memref<!tpu.dma_semaphore, #tpu.memory_space<semaphore_mem>>) src(%dma_wait3A_583 : memref<200x100xi32, #tpu.memory_space<hbm>>) dst(%arg6 : memref<200x100xi32, #tpu.memory_space<vmem>>)
      tpu.yield
    }) : () -> ()
    %barrier3A = arith.constant 0 : index
    tpu.barrier barrier_id(%barrier3A)
    %dma_start3A = arith.constant 0 : i32
    %dma_start3A_15 = arith.constant 0 : i32
    %dma_start3A_16 = arith.constant 0 : i32
    %dma_start3A_17 = arith.constant 0 : i32
    %dma_start3A_18 = arith.constant 0 : i32
    %dma_start3A_19 = tpu.memref_slice %arg7[%dma_start3A_15, %dma_start3A_17, %dma_start3A_18] : memref<8x100x64xbf16, #tpu.memory_space<vmem>> -> memref<1x100x64xbf16, #tpu.memory_space<vmem>>
    %dma_start3A_20 = tpu.memref_squeeze %dma_start3A_19 : memref<1x100x64xbf16, #tpu.memory_space<vmem>> -> memref<100x64xbf16, #tpu.memory_space<vmem>>
    %dma_start3A_21 = arith.constant 0 : i32
    %dma_start3A_22 = tpu.memref_slice %arg5[%dma_start3A, %dma_start3A_21] : memref<200x100xi32, #tpu.memory_space<vmem>> -> memref<1x100xi32, #tpu.memory_space<vmem>>
    %dma_start3A_23 = tpu.memref_squeeze %dma_start3A_22 : memref<1x100xi32, #tpu.memory_space<vmem>> -> memref<100xi32, #tpu.memory_space<vmem>>
    %dma_start3A_24 = arith.constant 0 : i32
    %dma_start3A_25 = arith.constant 0 : i32
    %dma_start3A_26 = tpu.memref_slice %arg2[%arg0, %dma_start3A_24, %dma_start3A_25] : memref<2x10000x64xbf16, #tpu.memory_space<hbm>> -> memref<1x10000x64xbf16, #tpu.memory_space<hbm>>
    %dma_start3A_27 = tpu.memref_squeeze %dma_start3A_26 : memref<1x10000x64xbf16, #tpu.memory_space<hbm>> -> memref<10000x64xbf16, #tpu.memory_space<hbm>>
    %dma_start3A_28 = arith.constant 0 : i32
    %dma_start3A_29 = arith.constant 0 : i32
    %dma_start3A_30 = tpu.memref_slice %dma_start3A_27[%dma_start3A_28, %dma_start3A_29] : memref<10000x64xbf16, #tpu.memory_space<hbm>> -> memref<10000x64xbf16, #tpu.memory_space<hbm>>
    %dma_start3A_31 = tpu.memref_slice %arg10[%dma_start3A_16] : memref<8x!tpu.dma_semaphore, #tpu.memory_space<semaphore_mem>> -> memref<1x!tpu.dma_semaphore, #tpu.memory_space<semaphore_mem>>
    %dma_start3A_32 = tpu.memref_squeeze %dma_start3A_31 : memref<1x!tpu.dma_semaphore, #tpu.memory_space<semaphore_mem>> -> memref<!tpu.dma_semaphore, #tpu.memory_space<semaphore_mem>>
    tpu.enqueue_indirect_dma source(%dma_start3A_30 : memref<10000x64xbf16, #tpu.memory_space<hbm>>) target(%dma_start3A_20 : memref<100x64xbf16, #tpu.memory_space<vmem>>) offsets(%dma_start3A_23 : memref<100xi32, #tpu.memory_space<vmem>>) semaphore(%dma_start3A_32 : memref<!tpu.dma_semaphore, #tpu.memory_space<semaphore_mem>>)
    %dma_start3A_33 = arith.constant 1 : i32
    %dma_start3A_34 = arith.constant 1 : i32
    %dma_start3A_35 = arith.constant 1 : i32
    %dma_start3A_36 = arith.constant 0 : i32
    %dma_start3A_37 = arith.constant 0 : i32
    %dma_start3A_38 = tpu.memref_slice %arg7[%dma_start3A_34, %dma_start3A_36, %dma_start3A_37] : memref<8x100x64xbf16, #tpu.memory_space<vmem>> -> memref<1x100x64xbf16, #tpu.memory_space<vmem>>
    %dma_start3A_39 = tpu.memref_squeeze %dma_start3A_38 : memref<1x100x64xbf16, #tpu.memory_space<vmem>> -> memref<100x64xbf16, #tpu.memory_space<vmem>>
    %dma_start3A_40 = arith.constant 0 : i32
    %dma_start3A_41 = tpu.memref_slice %arg5[%dma_start3A_33, %dma_start3A_40] : memref<200x100xi32, #tpu.memory_space<vmem>> -> memref<1x100xi32, #tpu.memory_space<vmem>>
    %dma_start3A_42 = tpu.memref_squeeze %dma_start3A_41 : memref<1x100xi32, #tpu.memory_space<vmem>> -> memref<100xi32, #tpu.memory_space<vmem>>
    %dma_start3A_43 = arith.constant 0 : i32
    %dma_start3A_44 = arith.constant 0 : i32
    %dma_start3A_45 = tpu.memref_slice %arg2[%arg0, %dma_start3A_43, %dma_start3A_44] : memref<2x10000x64xbf16, #tpu.memory_space<hbm>> -> memref<1x10000x64xbf16, #tpu.memory_space<hbm>>
    %dma_start3A_46 = tpu.memref_squeeze %dma_start3A_45 : memref<1x10000x64xbf16, #tpu.memory_space<hbm>> -> memref<10000x64xbf16, #tpu.memory_space<hbm>>
    %dma_start3A_47 = arith.constant 0 : i32
    %dma_start3A_48 = arith.constant 0 : i32
    %dma_start3A_49 = tpu.memref_slice %dma_start3A_46[%dma_start3A_47, %dma_start3A_48] : memref<10000x64xbf16, #tpu.memory_space<hbm>> -> memref<10000x64xbf16, #tpu.memory_space<hbm>>
    %dma_start3A_50 = tpu.memref_slice %arg10[%dma_start3A_35] : memref<8x!tpu.dma_semaphore, #tpu.memory_space<semaphore_mem>> -> memref<1x!tpu.dma_semaphore, #tpu.memory_space<semaphore_mem>>
    %dma_start3A_51 = tpu.memref_squeeze %dma_start3A_50 : memref<1x!tpu.dma_semaphore, #tpu.memory_space<semaphore_mem>> -> memref<!tpu.dma_semaphore, #tpu.memory_space<semaphore_mem>>
    tpu.enqueue_indirect_dma source(%dma_start3A_49 : memref<10000x64xbf16, #tpu.memory_space<hbm>>) target(%dma_start3A_39 : memref<100x64xbf16, #tpu.memory_space<vmem>>) offsets(%dma_start3A_42 : memref<100xi32, #tpu.memory_space<vmem>>) semaphore(%dma_start3A_51 : memref<!tpu.dma_semaphore, #tpu.memory_space<semaphore_mem>>)
    %dma_start3A_52 = arith.constant 2 : i32
    %dma_start3A_53 = arith.constant 2 : i32
    %dma_start3A_54 = arith.constant 2 : i32
    %dma_start3A_55 = arith.constant 0 : i32
    %dma_start3A_56 = arith.constant 0 : i32
    %dma_start3A_57 = tpu.memref_slice %arg7[%dma_start3A_53, %dma_start3A_55, %dma_start3A_56] : memref<8x100x64xbf16, #tpu.memory_space<vmem>> -> memref<1x100x64xbf16, #tpu.memory_space<vmem>>
    %dma_start3A_58 = tpu.memref_squeeze %dma_start3A_57 : memref<1x100x64xbf16, #tpu.memory_space<vmem>> -> memref<100x64xbf16, #tpu.memory_space<vmem>>
    %dma_start3A_59 = arith.constant 0 : i32
    %dma_start3A_60 = tpu.memref_slice %arg5[%dma_start3A_52, %dma_start3A_59] : memref<200x100xi32, #tpu.memory_space<vmem>> -> memref<1x100xi32, #tpu.memory_space<vmem>>
    %dma_start3A_61 = tpu.memref_squeeze %dma_start3A_60 : memref<1x100xi32, #tpu.memory_space<vmem>> -> memref<100xi32, #tpu.memory_space<vmem>>
    %dma_start3A_62 = arith.constant 0 : i32
    %dma_start3A_63 = arith.constant 0 : i32
    %dma_start3A_64 = tpu.memref_slice %arg2[%arg0, %dma_start3A_62, %dma_start3A_63] : memref<2x10000x64xbf16, #tpu.memory_space<hbm>> -> memref<1x10000x64xbf16, #tpu.memory_space<hbm>>
    %dma_start3A_65 = tpu.memref_squeeze %dma_start3A_64 : memref<1x10000x64xbf16, #tpu.memory_space<hbm>> -> memref<10000x64xbf16, #tpu.memory_space<hbm>>
    %dma_start3A_66 = arith.constant 0 : i32
    %dma_start3A_67 = arith.constant 0 : i32
    %dma_start3A_68 = tpu.memref_slice %dma_start3A_65[%dma_start3A_66, %dma_start3A_67] : memref<10000x64xbf16, #tpu.memory_space<hbm>> -> memref<10000x64xbf16, #tpu.memory_space<hbm>>
    %dma_start3A_69 = tpu.memref_slice %arg10[%dma_start3A_54] : memref<8x!tpu.dma_semaphore, #tpu.memory_space<semaphore_mem>> -> memref<1x!tpu.dma_semaphore, #tpu.memory_space<semaphore_mem>>
    %dma_start3A_70 = tpu.memref_squeeze %dma_start3A_69 : memref<1x!tpu.dma_semaphore, #tpu.memory_space<semaphore_mem>> -> memref<!tpu.dma_semaphore, #tpu.memory_space<semaphore_mem>>
    tpu.enqueue_indirect_dma source(%dma_start3A_68 : memref<10000x64xbf16, #tpu.memory_space<hbm>>) target(%dma_start3A_58 : memref<100x64xbf16, #tpu.memory_space<vmem>>) offsets(%dma_start3A_61 : memref<100xi32, #tpu.memory_space<vmem>>) semaphore(%dma_start3A_70 : memref<!tpu.dma_semaphore, #tpu.memory_space<semaphore_mem>>)
    %dma_start3A_71 = arith.constant 3 : i32
    %dma_start3A_72 = arith.constant 3 : i32
    %dma_start3A_73 = arith.constant 3 : i32
    %dma_start3A_74 = arith.constant 0 : i32
    %dma_start3A_75 = arith.constant 0 : i32
    %dma_start3A_76 = tpu.memref_slice %arg7[%dma_start3A_72, %dma_start3A_74, %dma_start3A_75] : memref<8x100x64xbf16, #tpu.memory_space<vmem>> -> memref<1x100x64xbf16, #tpu.memory_space<vmem>>
    %dma_start3A_77 = tpu.memref_squeeze %dma_start3A_76 : memref<1x100x64xbf16, #tpu.memory_space<vmem>> -> memref<100x64xbf16, #tpu.memory_space<vmem>>
    %dma_start3A_78 = arith.constant 0 : i32
    %dma_start3A_79 = tpu.memref_slice %arg5[%dma_start3A_71, %dma_start3A_78] : memref<200x100xi32, #tpu.memory_space<vmem>> -> memref<1x100xi32, #tpu.memory_space<vmem>>
    %dma_start3A_80 = tpu.memref_squeeze %dma_start3A_79 : memref<1x100xi32, #tpu.memory_space<vmem>> -> memref<100xi32, #tpu.memory_space<vmem>>
    %dma_start3A_81 = arith.constant 0 : i32
    %dma_start3A_82 = arith.constant 0 : i32
    %dma_start3A_83 = tpu.memref_slice %arg2[%arg0, %dma_start3A_81, %dma_start3A_82] : memref<2x10000x64xbf16, #tpu.memory_space<hbm>> -> memref<1x10000x64xbf16, #tpu.memory_space<hbm>>
    %dma_start3A_84 = tpu.memref_squeeze %dma_start3A_83 : memref<1x10000x64xbf16, #tpu.memory_space<hbm>> -> memref<10000x64xbf16, #tpu.memory_space<hbm>>
    %dma_start3A_85 = arith.constant 0 : i32
    %dma_start3A_86 = arith.constant 0 : i32
    %dma_start3A_87 = tpu.memref_slice %dma_start3A_84[%dma_start3A_85, %dma_start3A_86] : memref<10000x64xbf16, #tpu.memory_space<hbm>> -> memref<10000x64xbf16, #tpu.memory_space<hbm>>
    %dma_start3A_88 = tpu.memref_slice %arg10[%dma_start3A_73] : memref<8x!tpu.dma_semaphore, #tpu.memory_space<semaphore_mem>> -> memref<1x!tpu.dma_semaphore, #tpu.memory_space<semaphore_mem>>
    %dma_start3A_89 = tpu.memref_squeeze %dma_start3A_88 : memref<1x!tpu.dma_semaphore, #tpu.memory_space<semaphore_mem>> -> memref<!tpu.dma_semaphore, #tpu.memory_space<semaphore_mem>>
    tpu.enqueue_indirect_dma source(%dma_start3A_87 : memref<10000x64xbf16, #tpu.memory_space<hbm>>) target(%dma_start3A_77 : memref<100x64xbf16, #tpu.memory_space<vmem>>) offsets(%dma_start3A_80 : memref<100xi32, #tpu.memory_space<vmem>>) semaphore(%dma_start3A_89 : memref<!tpu.dma_semaphore, #tpu.memory_space<semaphore_mem>>)
    %dma_start3A_90 = arith.constant 4 : i32
    %dma_start3A_91 = arith.constant 4 : i32
    %dma_start3A_92 = arith.constant 4 : i32
    %dma_start3A_93 = arith.constant 0 : i32
    %dma_start3A_94 = arith.constant 0 : i32
    %dma_start3A_95 = tpu.memref_slice %arg7[%dma_start3A_91, %dma_start3A_93, %dma_start3A_94] : memref<8x100x64xbf16, #tpu.memory_space<vmem>> -> memref<1x100x64xbf16, #tpu.memory_space<vmem>>
    %dma_start3A_96 = tpu.memref_squeeze %dma_start3A_95 : memref<1x100x64xbf16, #tpu.memory_space<vmem>> -> memref<100x64xbf16, #tpu.memory_space<vmem>>
    %dma_start3A_97 = arith.constant 0 : i32
    %dma_start3A_98 = tpu.memref_slice %arg5[%dma_start3A_90, %dma_start3A_97] : memref<200x100xi32, #tpu.memory_space<vmem>> -> memref<1x100xi32, #tpu.memory_space<vmem>>
    %dma_start3A_99 = tpu.memref_squeeze %dma_start3A_98 : memref<1x100xi32, #tpu.memory_space<vmem>> -> memref<100xi32, #tpu.memory_space<vmem>>
    %dma_start3A_100 = arith.constant 0 : i32
    %dma_start3A_101 = arith.constant 0 : i32
    %dma_start3A_102 = tpu.memref_slice %arg2[%arg0, %dma_start3A_100, %dma_start3A_101] : memref<2x10000x64xbf16, #tpu.memory_space<hbm>> -> memref<1x10000x64xbf16, #tpu.memory_space<hbm>>
    %dma_start3A_103 = tpu.memref_squeeze %dma_start3A_102 : memref<1x10000x64xbf16, #tpu.memory_space<hbm>> -> memref<10000x64xbf16, #tpu.memory_space<hbm>>
    %dma_start3A_104 = arith.constant 0 : i32
    %dma_start3A_105 = arith.constant 0 : i32
    %dma_start3A_106 = tpu.memref_slice %dma_start3A_103[%dma_start3A_104, %dma_start3A_105] : memref<10000x64xbf16, #tpu.memory_space<hbm>> -> memref<10000x64xbf16, #tpu.memory_space<hbm>>
    %dma_start3A_107 = tpu.memref_slice %arg10[%dma_start3A_92] : memref<8x!tpu.dma_semaphore, #tpu.memory_space<semaphore_mem>> -> memref<1x!tpu.dma_semaphore, #tpu.memory_space<semaphore_mem>>
    %dma_start3A_108 = tpu.memref_squeeze %dma_start3A_107 : memref<1x!tpu.dma_semaphore, #tpu.memory_space<semaphore_mem>> -> memref<!tpu.dma_semaphore, #tpu.memory_space<semaphore_mem>>
    tpu.enqueue_indirect_dma source(%dma_start3A_106 : memref<10000x64xbf16, #tpu.memory_space<hbm>>) target(%dma_start3A_96 : memref<100x64xbf16, #tpu.memory_space<vmem>>) offsets(%dma_start3A_99 : memref<100xi32, #tpu.memory_space<vmem>>) semaphore(%dma_start3A_108 : memref<!tpu.dma_semaphore, #tpu.memory_space<semaphore_mem>>)
    %dma_start3A_109 = arith.constant 5 : i32
    %dma_start3A_110 = arith.constant 5 : i32
    %dma_start3A_111 = arith.constant 5 : i32
    %dma_start3A_112 = arith.constant 0 : i32
    %dma_start3A_113 = arith.constant 0 : i32
    %dma_start3A_114 = tpu.memref_slice %arg7[%dma_start3A_110, %dma_start3A_112, %dma_start3A_113] : memref<8x100x64xbf16, #tpu.memory_space<vmem>> -> memref<1x100x64xbf16, #tpu.memory_space<vmem>>
    %dma_start3A_115 = tpu.memref_squeeze %dma_start3A_114 : memref<1x100x64xbf16, #tpu.memory_space<vmem>> -> memref<100x64xbf16, #tpu.memory_space<vmem>>
    %dma_start3A_116 = arith.constant 0 : i32
    %dma_start3A_117 = tpu.memref_slice %arg5[%dma_start3A_109, %dma_start3A_116] : memref<200x100xi32, #tpu.memory_space<vmem>> -> memref<1x100xi32, #tpu.memory_space<vmem>>
    %dma_start3A_118 = tpu.memref_squeeze %dma_start3A_117 : memref<1x100xi32, #tpu.memory_space<vmem>> -> memref<100xi32, #tpu.memory_space<vmem>>
    %dma_start3A_119 = arith.constant 0 : i32
    %dma_start3A_120 = arith.constant 0 : i32
    %dma_start3A_121 = tpu.memref_slice %arg2[%arg0, %dma_start3A_119, %dma_start3A_120] : memref<2x10000x64xbf16, #tpu.memory_space<hbm>> -> memref<1x10000x64xbf16, #tpu.memory_space<hbm>>
    %dma_start3A_122 = tpu.memref_squeeze %dma_start3A_121 : memref<1x10000x64xbf16, #tpu.memory_space<hbm>> -> memref<10000x64xbf16, #tpu.memory_space<hbm>>
    %dma_start3A_123 = arith.constant 0 : i32
    %dma_start3A_124 = arith.constant 0 : i32
    %dma_start3A_125 = tpu.memref_slice %dma_start3A_122[%dma_start3A_123, %dma_start3A_124] : memref<10000x64xbf16, #tpu.memory_space<hbm>> -> memref<10000x64xbf16, #tpu.memory_space<hbm>>
    %dma_start3A_126 = tpu.memref_slice %arg10[%dma_start3A_111] : memref<8x!tpu.dma_semaphore, #tpu.memory_space<semaphore_mem>> -> memref<1x!tpu.dma_semaphore, #tpu.memory_space<semaphore_mem>>
    %dma_start3A_127 = tpu.memref_squeeze %dma_start3A_126 : memref<1x!tpu.dma_semaphore, #tpu.memory_space<semaphore_mem>> -> memref<!tpu.dma_semaphore, #tpu.memory_space<semaphore_mem>>
    tpu.enqueue_indirect_dma source(%dma_start3A_125 : memref<10000x64xbf16, #tpu.memory_space<hbm>>) target(%dma_start3A_115 : memref<100x64xbf16, #tpu.memory_space<vmem>>) offsets(%dma_start3A_118 : memref<100xi32, #tpu.memory_space<vmem>>) semaphore(%dma_start3A_127 : memref<!tpu.dma_semaphore, #tpu.memory_space<semaphore_mem>>)
    %dma_start3A_128 = arith.constant 6 : i32
    %dma_start3A_129 = arith.constant 6 : i32
    %dma_start3A_130 = arith.constant 6 : i32
    %dma_start3A_131 = arith.constant 0 : i32
    %dma_start3A_132 = arith.constant 0 : i32
    %dma_start3A_133 = tpu.memref_slice %arg7[%dma_start3A_129, %dma_start3A_131, %dma_start3A_132] : memref<8x100x64xbf16, #tpu.memory_space<vmem>> -> memref<1x100x64xbf16, #tpu.memory_space<vmem>>
    %dma_start3A_134 = tpu.memref_squeeze %dma_start3A_133 : memref<1x100x64xbf16, #tpu.memory_space<vmem>> -> memref<100x64xbf16, #tpu.memory_space<vmem>>
    %dma_start3A_135 = arith.constant 0 : i32
    %dma_start3A_136 = tpu.memref_slice %arg5[%dma_start3A_128, %dma_start3A_135] : memref<200x100xi32, #tpu.memory_space<vmem>> -> memref<1x100xi32, #tpu.memory_space<vmem>>
    %dma_start3A_137 = tpu.memref_squeeze %dma_start3A_136 : memref<1x100xi32, #tpu.memory_space<vmem>> -> memref<100xi32, #tpu.memory_space<vmem>>
    %dma_start3A_138 = arith.constant 0 : i32
    %dma_start3A_139 = arith.constant 0 : i32
    %dma_start3A_140 = tpu.memref_slice %arg2[%arg0, %dma_start3A_138, %dma_start3A_139] : memref<2x10000x64xbf16, #tpu.memory_space<hbm>> -> memref<1x10000x64xbf16, #tpu.memory_space<hbm>>
    %dma_start3A_141 = tpu.memref_squeeze %dma_start3A_140 : memref<1x10000x64xbf16, #tpu.memory_space<hbm>> -> memref<10000x64xbf16, #tpu.memory_space<hbm>>
    %dma_start3A_142 = arith.constant 0 : i32
    %dma_start3A_143 = arith.constant 0 : i32
    %dma_start3A_144 = tpu.memref_slice %dma_start3A_141[%dma_start3A_142, %dma_start3A_143] : memref<10000x64xbf16, #tpu.memory_space<hbm>> -> memref<10000x64xbf16, #tpu.memory_space<hbm>>
    %dma_start3A_145 = tpu.memref_slice %arg10[%dma_start3A_130] : memref<8x!tpu.dma_semaphore, #tpu.memory_space<semaphore_mem>> -> memref<1x!tpu.dma_semaphore, #tpu.memory_space<semaphore_mem>>
    %dma_start3A_146 = tpu.memref_squeeze %dma_start3A_145 : memref<1x!tpu.dma_semaphore, #tpu.memory_space<semaphore_mem>> -> memref<!tpu.dma_semaphore, #tpu.memory_space<semaphore_mem>>
    tpu.enqueue_indirect_dma source(%dma_start3A_144 : memref<10000x64xbf16, #tpu.memory_space<hbm>>) target(%dma_start3A_134 : memref<100x64xbf16, #tpu.memory_space<vmem>>) offsets(%dma_start3A_137 : memref<100xi32, #tpu.memory_space<vmem>>) semaphore(%dma_start3A_146 : memref<!tpu.dma_semaphore, #tpu.memory_space<semaphore_mem>>)
    %dma_start3A_147 = arith.constant 7 : i32
    %dma_start3A_148 = arith.constant 7 : i32
    %dma_start3A_149 = arith.constant 7 : i32
    %dma_start3A_150 = arith.constant 0 : i32
    %dma_start3A_151 = arith.constant 0 : i32
    %dma_start3A_152 = tpu.memref_slice %arg7[%dma_start3A_148, %dma_start3A_150, %dma_start3A_151] : memref<8x100x64xbf16, #tpu.memory_space<vmem>> -> memref<1x100x64xbf16, #tpu.memory_space<vmem>>
    %dma_start3A_153 = tpu.memref_squeeze %dma_start3A_152 : memref<1x100x64xbf16, #tpu.memory_space<vmem>> -> memref<100x64xbf16, #tpu.memory_space<vmem>>
    %dma_start3A_154 = arith.constant 0 : i32
    %dma_start3A_155 = tpu.memref_slice %arg5[%dma_start3A_147, %dma_start3A_154] : memref<200x100xi32, #tpu.memory_space<vmem>> -> memref<1x100xi32, #tpu.memory_space<vmem>>
    %dma_start3A_156 = tpu.memref_squeeze %dma_start3A_155 : memref<1x100xi32, #tpu.memory_space<vmem>> -> memref<100xi32, #tpu.memory_space<vmem>>
    %dma_start3A_157 = arith.constant 0 : i32
    %dma_start3A_158 = arith.constant 0 : i32
    %dma_start3A_159 = tpu.memref_slice %arg2[%arg0, %dma_start3A_157, %dma_start3A_158] : memref<2x10000x64xbf16, #tpu.memory_space<hbm>> -> memref<1x10000x64xbf16, #tpu.memory_space<hbm>>
    %dma_start3A_160 = tpu.memref_squeeze %dma_start3A_159 : memref<1x10000x64xbf16, #tpu.memory_space<hbm>> -> memref<10000x64xbf16, #tpu.memory_space<hbm>>
    %dma_start3A_161 = arith.constant 0 : i32
    %dma_start3A_162 = arith.constant 0 : i32
    %dma_start3A_163 = tpu.memref_slice %dma_start3A_160[%dma_start3A_161, %dma_start3A_162] : memref<10000x64xbf16, #tpu.memory_space<hbm>> -> memref<10000x64xbf16, #tpu.memory_space<hbm>>
    %dma_start3A_164 = tpu.memref_slice %arg10[%dma_start3A_149] : memref<8x!tpu.dma_semaphore, #tpu.memory_space<semaphore_mem>> -> memref<1x!tpu.dma_semaphore, #tpu.memory_space<semaphore_mem>>
    %dma_start3A_165 = tpu.memref_squeeze %dma_start3A_164 : memref<1x!tpu.dma_semaphore, #tpu.memory_space<semaphore_mem>> -> memref<!tpu.dma_semaphore, #tpu.memory_space<semaphore_mem>>
    tpu.enqueue_indirect_dma source(%dma_start3A_163 : memref<10000x64xbf16, #tpu.memory_space<hbm>>) target(%dma_start3A_153 : memref<100x64xbf16, #tpu.memory_space<vmem>>) offsets(%dma_start3A_156 : memref<100xi32, #tpu.memory_space<vmem>>) semaphore(%dma_start3A_165 : memref<!tpu.dma_semaphore, #tpu.memory_space<semaphore_mem>>)
    %scan3A_166 = arith.constant 0 : i32
    %scan3A_167 = arith.constant 0 : i32
    %scan3A_168 = arith.constant 24 : i32
    %scan3A_169 = arith.addi %scan3A_167, %scan3A_168 : i32
    %scan3A_170 = arith.constant 1 : i32
    %scan3A_171 = scf.for %scan3A_568 = %scan3A_167 to %scan3A_169 step %scan3A_170 iter_args(%scan3A_569 = %scan3A_166) -> (i32)  : i32 {
      %mul3A_570 = arith.constant 8 : i32
      %mul3A_571 = arith.muli %scan3A_568, %mul3A_570 : i32
      %add3A_572 = arith.constant 0 : i32
      %add3A_573 = arith.addi %mul3A_571, %add3A_572 : i32
      %dma_wait3A_574 = arith.constant 0 : i32
      %dma_wait3A_575 = arith.constant 0 : i32
      %dma_wait3A_576 = arith.constant 0 : i32
      %dma_wait3A_577 = arith.constant 0 : i32
      %dma_wait3A_578 = tpu.memref_slice %arg7[%dma_wait3A_574, %dma_wait3A_576, %dma_wait3A_577] : memref<8x100x64xbf16, #tpu.memory_space<vmem>> -> memref<1x100x64xbf16, #tpu.memory_space<vmem>>
      %dma_wait3A_579 = tpu.memref_squeeze %dma_wait3A_578 : memref<1x100x64xbf16, #tpu.memory_space<vmem>> -> memref<100x64xbf16, #tpu.memory_space<vmem>>
      %dma_wait3A_580 = arith.constant 0 : i32
      %dma_wait3A_581 = tpu.memref_slice %arg5[%add3A_573, %dma_wait3A_580] : memref<200x100xi32, #tpu.memory_space<vmem>> -> memref<1x100xi32, #tpu.memory_space<vmem>>
      %dma_wait3A_582 = tpu.memref_squeeze %dma_wait3A_581 : memref<1x100xi32, #tpu.memory_space<vmem>> -> memref<100xi32, #tpu.memory_space<vmem>>
      %dma_wait3A_583 = arith.constant 0 : i32
      %dma_wait3A_584 = arith.constant 0 : i32
      %dma_wait3A_585 = tpu.memref_slice %arg2[%arg0, %dma_wait3A_583, %dma_wait3A_584] : memref<2x10000x64xbf16, #tpu.memory_space<hbm>> -> memref<1x10000x64xbf16, #tpu.memory_space<hbm>>
      %dma_wait3A_586 = tpu.memref_squeeze %dma_wait3A_585 : memref<1x10000x64xbf16, #tpu.memory_space<hbm>> -> memref<10000x64xbf16, #tpu.memory_space<hbm>>
      %dma_wait3A_587 = arith.constant 0 : i32
      %dma_wait3A_588 = arith.constant 0 : i32
      %dma_wait3A_589 = tpu.memref_slice %dma_wait3A_586[%dma_wait3A_587, %dma_wait3A_588] : memref<10000x64xbf16, #tpu.memory_space<hbm>> -> memref<10000x64xbf16, #tpu.memory_space<hbm>>
      %dma_wait3A_590 = tpu.memref_slice %arg10[%dma_wait3A_575] : memref<8x!tpu.dma_semaphore, #tpu.memory_space<semaphore_mem>> -> memref<1x!tpu.dma_semaphore, #tpu.memory_space<semaphore_mem>>
      %dma_wait3A_591 = tpu.memref_squeeze %dma_wait3A_590 : memref<1x!tpu.dma_semaphore, #tpu.memory_space<semaphore_mem>> -> memref<!tpu.dma_semaphore, #tpu.memory_space<semaphore_mem>>
      tpu.wait_indirect_dma semaphore(%dma_wait3A_591 : memref<!tpu.dma_semaphore, #tpu.memory_space<semaphore_mem>>) src(%dma_wait3A_589 : memref<10000x64xbf16, #tpu.memory_space<hbm>>) dst(%dma_wait3A_579 : memref<100x64xbf16, #tpu.memory_space<vmem>>)
      %mul3A_592 = arith.constant 8 : i32
      %mul3A_593 = arith.muli %scan3A_568, %mul3A_592 : i32
      %add3A_594 = arith.constant 0 : i32
      %add3A_595 = arith.addi %mul3A_593, %add3A_594 : i32
      %dma_start3A_596 = arith.constant 0 : i32
      %dma_start3A_597 = arith.constant 0 : i32
      %dma_start3A_598 = arith.constant 0 : i32
      %dma_start3A_599 = arith.constant 0 : i32
      %dma_start3A_600 = tpu.memref_slice %arg7[%dma_start3A_596, %dma_start3A_598, %dma_start3A_599] : memref<8x100x64xbf16, #tpu.memory_space<vmem>> -> memref<1x100x64xbf16, #tpu.memory_space<vmem>>
      %dma_start3A_601 = tpu.memref_squeeze %dma_start3A_600 : memref<1x100x64xbf16, #tpu.memory_space<vmem>> -> memref<100x64xbf16, #tpu.memory_space<vmem>>
      %dma_start3A_602 = arith.constant 0 : i32
      %dma_start3A_603 = tpu.memref_slice %arg6[%add3A_595, %dma_start3A_602] : memref<200x100xi32, #tpu.memory_space<vmem>> -> memref<1x100xi32, #tpu.memory_space<vmem>>
      %dma_start3A_604 = tpu.memref_squeeze %dma_start3A_603 : memref<1x100xi32, #tpu.memory_space<vmem>> -> memref<100xi32, #tpu.memory_space<vmem>>
      %dma_start3A_605 = arith.constant 0 : i32
      %dma_start3A_606 = arith.constant 0 : i32
      %dma_start3A_607 = tpu.memref_slice %arg9[%dma_start3A_605, %dma_start3A_606] : memref<10240x64xbf16, #tpu.memory_space<vmem_shared>> -> memref<10240x64xbf16, #tpu.memory_space<vmem_shared>>
      %dma_start3A_608 = tpu.memref_slice %arg11[%dma_start3A_597] : memref<8x!tpu.dma_semaphore, #tpu.memory_space<semaphore_mem>> -> memref<1x!tpu.dma_semaphore, #tpu.memory_space<semaphore_mem>>
      %dma_start3A_609 = tpu.memref_squeeze %dma_start3A_608 : memref<1x!tpu.dma_semaphore, #tpu.memory_space<semaphore_mem>> -> memref<!tpu.dma_semaphore, #tpu.memory_space<semaphore_mem>>
      tpu.enqueue_indirect_dma source(%dma_start3A_601 : memref<100x64xbf16, #tpu.memory_space<vmem>>) target(%dma_start3A_607 : memref<10240x64xbf16, #tpu.memory_space<vmem_shared>>) offsets(%dma_start3A_604 : memref<100xi32, #tpu.memory_space<vmem>>) semaphore(%dma_start3A_609 : memref<!tpu.dma_semaphore, #tpu.memory_space<semaphore_mem>>) {add = true}
      %mul3A_610 = arith.constant 8 : i32
      %mul3A_611 = arith.muli %scan3A_568, %mul3A_610 : i32
      %add3A_612 = arith.constant 1 : i32
      %add3A_613 = arith.addi %mul3A_611, %add3A_612 : i32
      %dma_wait3A_614 = arith.constant 1 : i32
      %dma_wait3A_615 = arith.constant 1 : i32
      %dma_wait3A_616 = arith.constant 0 : i32
      %dma_wait3A_617 = arith.constant 0 : i32
      %dma_wait3A_618 = tpu.memref_slice %arg7[%dma_wait3A_614, %dma_wait3A_616, %dma_wait3A_617] : memref<8x100x64xbf16, #tpu.memory_space<vmem>> -> memref<1x100x64xbf16, #tpu.memory_space<vmem>>
      %dma_wait3A_619 = tpu.memref_squeeze %dma_wait3A_618 : memref<1x100x64xbf16, #tpu.memory_space<vmem>> -> memref<100x64xbf16, #tpu.memory_space<vmem>>
      %dma_wait3A_620 = arith.constant 0 : i32
      %dma_wait3A_621 = tpu.memref_slice %arg5[%add3A_613, %dma_wait3A_620] : memref<200x100xi32, #tpu.memory_space<vmem>> -> memref<1x100xi32, #tpu.memory_space<vmem>>
      %dma_wait3A_622 = tpu.memref_squeeze %dma_wait3A_621 : memref<1x100xi32, #tpu.memory_space<vmem>> -> memref<100xi32, #tpu.memory_space<vmem>>
      %dma_wait3A_623 = arith.constant 0 : i32
      %dma_wait3A_624 = arith.constant 0 : i32
      %dma_wait3A_625 = tpu.memref_slice %arg2[%arg0, %dma_wait3A_623, %dma_wait3A_624] : memref<2x10000x64xbf16, #tpu.memory_space<hbm>> -> memref<1x10000x64xbf16, #tpu.memory_space<hbm>>
      %dma_wait3A_626 = tpu.memref_squeeze %dma_wait3A_625 : memref<1x10000x64xbf16, #tpu.memory_space<hbm>> -> memref<10000x64xbf16, #tpu.memory_space<hbm>>
      %dma_wait3A_627 = arith.constant 0 : i32
      %dma_wait3A_628 = arith.constant 0 : i32
      %dma_wait3A_629 = tpu.memref_slice %dma_wait3A_626[%dma_wait3A_627, %dma_wait3A_628] : memref<10000x64xbf16, #tpu.memory_space<hbm>> -> memref<10000x64xbf16, #tpu.memory_space<hbm>>
      %dma_wait3A_630 = tpu.memref_slice %arg10[%dma_wait3A_615] : memref<8x!tpu.dma_semaphore, #tpu.memory_space<semaphore_mem>> -> memref<1x!tpu.dma_semaphore, #tpu.memory_space<semaphore_mem>>
      %dma_wait3A_631 = tpu.memref_squeeze %dma_wait3A_630 : memref<1x!tpu.dma_semaphore, #tpu.memory_space<semaphore_mem>> -> memref<!tpu.dma_semaphore, #tpu.memory_space<semaphore_mem>>
      tpu.wait_indirect_dma semaphore(%dma_wait3A_631 : memref<!tpu.dma_semaphore, #tpu.memory_space<semaphore_mem>>) src(%dma_wait3A_629 : memref<10000x64xbf16, #tpu.memory_space<hbm>>) dst(%dma_wait3A_619 : memref<100x64xbf16, #tpu.memory_space<vmem>>)
      %mul3A_632 = arith.constant 8 : i32
      %mul3A_633 = arith.muli %scan3A_568, %mul3A_632 : i32
      %add3A_634 = arith.constant 1 : i32
      %add3A_635 = arith.addi %mul3A_633, %add3A_634 : i32
      %dma_start3A_636 = arith.constant 1 : i32
      %dma_start3A_637 = arith.constant 1 : i32
      %dma_start3A_638 = arith.constant 0 : i32
      %dma_start3A_639 = arith.constant 0 : i32
      %dma_start3A_640 = tpu.memref_slice %arg7[%dma_start3A_636, %dma_start3A_638, %dma_start3A_639] : memref<8x100x64xbf16, #tpu.memory_space<vmem>> -> memref<1x100x64xbf16, #tpu.memory_space<vmem>>
      %dma_start3A_641 = tpu.memref_squeeze %dma_start3A_640 : memref<1x100x64xbf16, #tpu.memory_space<vmem>> -> memref<100x64xbf16, #tpu.memory_space<vmem>>
      %dma_start3A_642 = arith.constant 0 : i32
      %dma_start3A_643 = tpu.memref_slice %arg6[%add3A_635, %dma_start3A_642] : memref<200x100xi32, #tpu.memory_space<vmem>> -> memref<1x100xi32, #tpu.memory_space<vmem>>
      %dma_start3A_644 = tpu.memref_squeeze %dma_start3A_643 : memref<1x100xi32, #tpu.memory_space<vmem>> -> memref<100xi32, #tpu.memory_space<vmem>>
      %dma_start3A_645 = arith.constant 0 : i32
      %dma_start3A_646 = arith.constant 0 : i32
      %dma_start3A_647 = tpu.memref_slice %arg9[%dma_start3A_645, %dma_start3A_646] : memref<10240x64xbf16, #tpu.memory_space<vmem_shared>> -> memref<10240x64xbf16, #tpu.memory_space<vmem_shared>>
      %dma_start3A_648 = tpu.memref_slice %arg11[%dma_start3A_637] : memref<8x!tpu.dma_semaphore, #tpu.memory_space<semaphore_mem>> -> memref<1x!tpu.dma_semaphore, #tpu.memory_space<semaphore_mem>>
      %dma_start3A_649 = tpu.memref_squeeze %dma_start3A_648 : memref<1x!tpu.dma_semaphore, #tpu.memory_space<semaphore_mem>> -> memref<!tpu.dma_semaphore, #tpu.memory_space<semaphore_mem>>
      tpu.enqueue_indirect_dma source(%dma_start3A_641 : memref<100x64xbf16, #tpu.memory_space<vmem>>) target(%dma_start3A_647 : memref<10240x64xbf16, #tpu.memory_space<vmem_shared>>) offsets(%dma_start3A_644 : memref<100xi32, #tpu.memory_space<vmem>>) semaphore(%dma_start3A_649 : memref<!tpu.dma_semaphore, #tpu.memory_space<semaphore_mem>>) {add = true}
      %mul3A_650 = arith.constant 8 : i32
      %mul3A_651 = arith.muli %scan3A_568, %mul3A_650 : i32
      %add3A_652 = arith.constant 2 : i32
      %add3A_653 = arith.addi %mul3A_651, %add3A_652 : i32
      %dma_wait3A_654 = arith.constant 2 : i32
      %dma_wait3A_655 = arith.constant 2 : i32
      %dma_wait3A_656 = arith.constant 0 : i32
      %dma_wait3A_657 = arith.constant 0 : i32
      %dma_wait3A_658 = tpu.memref_slice %arg7[%dma_wait3A_654, %dma_wait3A_656, %dma_wait3A_657] : memref<8x100x64xbf16, #tpu.memory_space<vmem>> -> memref<1x100x64xbf16, #tpu.memory_space<vmem>>
      %dma_wait3A_659 = tpu.memref_squeeze %dma_wait3A_658 : memref<1x100x64xbf16, #tpu.memory_space<vmem>> -> memref<100x64xbf16, #tpu.memory_space<vmem>>
      %dma_wait3A_660 = arith.constant 0 : i32
      %dma_wait3A_661 = tpu.memref_slice %arg5[%add3A_653, %dma_wait3A_660] : memref<200x100xi32, #tpu.memory_space<vmem>> -> memref<1x100xi32, #tpu.memory_space<vmem>>
      %dma_wait3A_662 = tpu.memref_squeeze %dma_wait3A_661 : memref<1x100xi32, #tpu.memory_space<vmem>> -> memref<100xi32, #tpu.memory_space<vmem>>
      %dma_wait3A_663 = arith.constant 0 : i32
      %dma_wait3A_664 = arith.constant 0 : i32
      %dma_wait3A_665 = tpu.memref_slice %arg2[%arg0, %dma_wait3A_663, %dma_wait3A_664] : memref<2x10000x64xbf16, #tpu.memory_space<hbm>> -> memref<1x10000x64xbf16, #tpu.memory_space<hbm>>
      %dma_wait3A_666 = tpu.memref_squeeze %dma_wait3A_665 : memref<1x10000x64xbf16, #tpu.memory_space<hbm>> -> memref<10000x64xbf16, #tpu.memory_space<hbm>>
      %dma_wait3A_667 = arith.constant 0 : i32
      %dma_wait3A_668 = arith.constant 0 : i32
      %dma_wait3A_669 = tpu.memref_slice %dma_wait3A_666[%dma_wait3A_667, %dma_wait3A_668] : memref<10000x64xbf16, #tpu.memory_space<hbm>> -> memref<10000x64xbf16, #tpu.memory_space<hbm>>
      %dma_wait3A_670 = tpu.memref_slice %arg10[%dma_wait3A_655] : memref<8x!tpu.dma_semaphore, #tpu.memory_space<semaphore_mem>> -> memref<1x!tpu.dma_semaphore, #tpu.memory_space<semaphore_mem>>
      %dma_wait3A_671 = tpu.memref_squeeze %dma_wait3A_670 : memref<1x!tpu.dma_semaphore, #tpu.memory_space<semaphore_mem>> -> memref<!tpu.dma_semaphore, #tpu.memory_space<semaphore_mem>>
      tpu.wait_indirect_dma semaphore(%dma_wait3A_671 : memref<!tpu.dma_semaphore, #tpu.memory_space<semaphore_mem>>) src(%dma_wait3A_669 : memref<10000x64xbf16, #tpu.memory_space<hbm>>) dst(%dma_wait3A_659 : memref<100x64xbf16, #tpu.memory_space<vmem>>)
      %mul3A_672 = arith.constant 8 : i32
      %mul3A_673 = arith.muli %scan3A_568, %mul3A_672 : i32
      %add3A_674 = arith.constant 2 : i32
      %add3A_675 = arith.addi %mul3A_673, %add3A_674 : i32
      %dma_start3A_676 = arith.constant 2 : i32
      %dma_start3A_677 = arith.constant 2 : i32
      %dma_start3A_678 = arith.constant 0 : i32
      %dma_start3A_679 = arith.constant 0 : i32
      %dma_start3A_680 = tpu.memref_slice %arg7[%dma_start3A_676, %dma_start3A_678, %dma_start3A_679] : memref<8x100x64xbf16, #tpu.memory_space<vmem>> -> memref<1x100x64xbf16, #tpu.memory_space<vmem>>
      %dma_start3A_681 = tpu.memref_squeeze %dma_start3A_680 : memref<1x100x64xbf16, #tpu.memory_space<vmem>> -> memref<100x64xbf16, #tpu.memory_space<vmem>>
      %dma_start3A_682 = arith.constant 0 : i32
      %dma_start3A_683 = tpu.memref_slice %arg6[%add3A_675, %dma_start3A_682] : memref<200x100xi32, #tpu.memory_space<vmem>> -> memref<1x100xi32, #tpu.memory_space<vmem>>
      %dma_start3A_684 = tpu.memref_squeeze %dma_start3A_683 : memref<1x100xi32, #tpu.memory_space<vmem>> -> memref<100xi32, #tpu.memory_space<vmem>>
      %dma_start3A_685 = arith.constant 0 : i32
      %dma_start3A_686 = arith.constant 0 : i32
      %dma_start3A_687 = tpu.memref_slice %arg9[%dma_start3A_685, %dma_start3A_686] : memref<10240x64xbf16, #tpu.memory_space<vmem_shared>> -> memref<10240x64xbf16, #tpu.memory_space<vmem_shared>>
      %dma_start3A_688 = tpu.memref_slice %arg11[%dma_start3A_677] : memref<8x!tpu.dma_semaphore, #tpu.memory_space<semaphore_mem>> -> memref<1x!tpu.dma_semaphore, #tpu.memory_space<semaphore_mem>>
      %dma_start3A_689 = tpu.memref_squeeze %dma_start3A_688 : memref<1x!tpu.dma_semaphore, #tpu.memory_space<semaphore_mem>> -> memref<!tpu.dma_semaphore, #tpu.memory_space<semaphore_mem>>
      tpu.enqueue_indirect_dma source(%dma_start3A_681 : memref<100x64xbf16, #tpu.memory_space<vmem>>) target(%dma_start3A_687 : memref<10240x64xbf16, #tpu.memory_space<vmem_shared>>) offsets(%dma_start3A_684 : memref<100xi32, #tpu.memory_space<vmem>>) semaphore(%dma_start3A_689 : memref<!tpu.dma_semaphore, #tpu.memory_space<semaphore_mem>>) {add = true}
      %mul3A_690 = arith.constant 8 : i32
      %mul3A_691 = arith.muli %scan3A_568, %mul3A_690 : i32
      %add3A_692 = arith.constant 3 : i32
      %add3A_693 = arith.addi %mul3A_691, %add3A_692 : i32
      %dma_wait3A_694 = arith.constant 3 : i32
      %dma_wait3A_695 = arith.constant 3 : i32
      %dma_wait3A_696 = arith.constant 0 : i32
      %dma_wait3A_697 = arith.constant 0 : i32
      %dma_wait3A_698 = tpu.memref_slice %arg7[%dma_wait3A_694, %dma_wait3A_696, %dma_wait3A_697] : memref<8x100x64xbf16, #tpu.memory_space<vmem>> -> memref<1x100x64xbf16, #tpu.memory_space<vmem>>
      %dma_wait3A_699 = tpu.memref_squeeze %dma_wait3A_698 : memref<1x100x64xbf16, #tpu.memory_space<vmem>> -> memref<100x64xbf16, #tpu.memory_space<vmem>>
      %dma_wait3A_700 = arith.constant 0 : i32
      %dma_wait3A_701 = tpu.memref_slice %arg5[%add3A_693, %dma_wait3A_700] : memref<200x100xi32, #tpu.memory_space<vmem>> -> memref<1x100xi32, #tpu.memory_space<vmem>>
      %dma_wait3A_702 = tpu.memref_squeeze %dma_wait3A_701 : memref<1x100xi32, #tpu.memory_space<vmem>> -> memref<100xi32, #tpu.memory_space<vmem>>
      %dma_wait3A_703 = arith.constant 0 : i32
      %dma_wait3A_704 = arith.constant 0 : i32
      %dma_wait3A_705 = tpu.memref_slice %arg2[%arg0, %dma_wait3A_703, %dma_wait3A_704] : memref<2x10000x64xbf16, #tpu.memory_space<hbm>> -> memref<1x10000x64xbf16, #tpu.memory_space<hbm>>
      %dma_wait3A_706 = tpu.memref_squeeze %dma_wait3A_705 : memref<1x10000x64xbf16, #tpu.memory_space<hbm>> -> memref<10000x64xbf16, #tpu.memory_space<hbm>>
      %dma_wait3A_707 = arith.constant 0 : i32
      %dma_wait3A_708 = arith.constant 0 : i32
      %dma_wait3A_709 = tpu.memref_slice %dma_wait3A_706[%dma_wait3A_707, %dma_wait3A_708] : memref<10000x64xbf16, #tpu.memory_space<hbm>> -> memref<10000x64xbf16, #tpu.memory_space<hbm>>
      %dma_wait3A_710 = tpu.memref_slice %arg10[%dma_wait3A_695] : memref<8x!tpu.dma_semaphore, #tpu.memory_space<semaphore_mem>> -> memref<1x!tpu.dma_semaphore, #tpu.memory_space<semaphore_mem>>
      %dma_wait3A_711 = tpu.memref_squeeze %dma_wait3A_710 : memref<1x!tpu.dma_semaphore, #tpu.memory_space<semaphore_mem>> -> memref<!tpu.dma_semaphore, #tpu.memory_space<semaphore_mem>>
      tpu.wait_indirect_dma semaphore(%dma_wait3A_711 : memref<!tpu.dma_semaphore, #tpu.memory_space<semaphore_mem>>) src(%dma_wait3A_709 : memref<10000x64xbf16, #tpu.memory_space<hbm>>) dst(%dma_wait3A_699 : memref<100x64xbf16, #tpu.memory_space<vmem>>)
      %mul3A_712 = arith.constant 8 : i32
      %mul3A_713 = arith.muli %scan3A_568, %mul3A_712 : i32
      %add3A_714 = arith.constant 3 : i32
      %add3A_715 = arith.addi %mul3A_713, %add3A_714 : i32
      %dma_start3A_716 = arith.constant 3 : i32
      %dma_start3A_717 = arith.constant 3 : i32
      %dma_start3A_718 = arith.constant 0 : i32
      %dma_start3A_719 = arith.constant 0 : i32
      %dma_start3A_720 = tpu.memref_slice %arg7[%dma_start3A_716, %dma_start3A_718, %dma_start3A_719] : memref<8x100x64xbf16, #tpu.memory_space<vmem>> -> memref<1x100x64xbf16, #tpu.memory_space<vmem>>
      %dma_start3A_721 = tpu.memref_squeeze %dma_start3A_720 : memref<1x100x64xbf16, #tpu.memory_space<vmem>> -> memref<100x64xbf16, #tpu.memory_space<vmem>>
      %dma_start3A_722 = arith.constant 0 : i32
      %dma_start3A_723 = tpu.memref_slice %arg6[%add3A_715, %dma_start3A_722] : memref<200x100xi32, #tpu.memory_space<vmem>> -> memref<1x100xi32, #tpu.memory_space<vmem>>
      %dma_start3A_724 = tpu.memref_squeeze %dma_start3A_723 : memref<1x100xi32, #tpu.memory_space<vmem>> -> memref<100xi32, #tpu.memory_space<vmem>>
      %dma_start3A_725 = arith.constant 0 : i32
      %dma_start3A_726 = arith.constant 0 : i32
      %dma_start3A_727 = tpu.memref_slice %arg9[%dma_start3A_725, %dma_start3A_726] : memref<10240x64xbf16, #tpu.memory_space<vmem_shared>> -> memref<10240x64xbf16, #tpu.memory_space<vmem_shared>>
      %dma_start3A_728 = tpu.memref_slice %arg11[%dma_start3A_717] : memref<8x!tpu.dma_semaphore, #tpu.memory_space<semaphore_mem>> -> memref<1x!tpu.dma_semaphore, #tpu.memory_space<semaphore_mem>>
      %dma_start3A_729 = tpu.memref_squeeze %dma_start3A_728 : memref<1x!tpu.dma_semaphore, #tpu.memory_space<semaphore_mem>> -> memref<!tpu.dma_semaphore, #tpu.memory_space<semaphore_mem>>
      tpu.enqueue_indirect_dma source(%dma_start3A_721 : memref<100x64xbf16, #tpu.memory_space<vmem>>) target(%dma_start3A_727 : memref<10240x64xbf16, #tpu.memory_space<vmem_shared>>) offsets(%dma_start3A_724 : memref<100xi32, #tpu.memory_space<vmem>>) semaphore(%dma_start3A_729 : memref<!tpu.dma_semaphore, #tpu.memory_space<semaphore_mem>>) {add = true}
      %mul3A_730 = arith.constant 8 : i32
      %mul3A_731 = arith.muli %scan3A_568, %mul3A_730 : i32
      %add3A_732 = arith.constant 4 : i32
      %add3A_733 = arith.addi %mul3A_731, %add3A_732 : i32
      %dma_wait3A_734 = arith.constant 4 : i32
      %dma_wait3A_735 = arith.constant 4 : i32
      %dma_wait3A_736 = arith.constant 0 : i32
      %dma_wait3A_737 = arith.constant 0 : i32
      %dma_wait3A_738 = tpu.memref_slice %arg7[%dma_wait3A_734, %dma_wait3A_736, %dma_wait3A_737] : memref<8x100x64xbf16, #tpu.memory_space<vmem>> -> memref<1x100x64xbf16, #tpu.memory_space<vmem>>
      %dma_wait3A_739 = tpu.memref_squeeze %dma_wait3A_738 : memref<1x100x64xbf16, #tpu.memory_space<vmem>> -> memref<100x64xbf16, #tpu.memory_space<vmem>>
      %dma_wait3A_740 = arith.constant 0 : i32
      %dma_wait3A_741 = tpu.memref_slice %arg5[%add3A_733, %dma_wait3A_740] : memref<200x100xi32, #tpu.memory_space<vmem>> -> memref<1x100xi32, #tpu.memory_space<vmem>>
      %dma_wait3A_742 = tpu.memref_squeeze %dma_wait3A_741 : memref<1x100xi32, #tpu.memory_space<vmem>> -> memref<100xi32, #tpu.memory_space<vmem>>
      %dma_wait3A_743 = arith.constant 0 : i32
      %dma_wait3A_744 = arith.constant 0 : i32
      %dma_wait3A_745 = tpu.memref_slice %arg2[%arg0, %dma_wait3A_743, %dma_wait3A_744] : memref<2x10000x64xbf16, #tpu.memory_space<hbm>> -> memref<1x10000x64xbf16, #tpu.memory_space<hbm>>
      %dma_wait3A_746 = tpu.memref_squeeze %dma_wait3A_745 : memref<1x10000x64xbf16, #tpu.memory_space<hbm>> -> memref<10000x64xbf16, #tpu.memory_space<hbm>>
      %dma_wait3A_747 = arith.constant 0 : i32
      %dma_wait3A_748 = arith.constant 0 : i32
      %dma_wait3A_749 = tpu.memref_slice %dma_wait3A_746[%dma_wait3A_747, %dma_wait3A_748] : memref<10000x64xbf16, #tpu.memory_space<hbm>> -> memref<10000x64xbf16, #tpu.memory_space<hbm>>
      %dma_wait3A_750 = tpu.memref_slice %arg10[%dma_wait3A_735] : memref<8x!tpu.dma_semaphore, #tpu.memory_space<semaphore_mem>> -> memref<1x!tpu.dma_semaphore, #tpu.memory_space<semaphore_mem>>
      %dma_wait3A_751 = tpu.memref_squeeze %dma_wait3A_750 : memref<1x!tpu.dma_semaphore, #tpu.memory_space<semaphore_mem>> -> memref<!tpu.dma_semaphore, #tpu.memory_space<semaphore_mem>>
      tpu.wait_indirect_dma semaphore(%dma_wait3A_751 : memref<!tpu.dma_semaphore, #tpu.memory_space<semaphore_mem>>) src(%dma_wait3A_749 : memref<10000x64xbf16, #tpu.memory_space<hbm>>) dst(%dma_wait3A_739 : memref<100x64xbf16, #tpu.memory_space<vmem>>)
      %mul3A_752 = arith.constant 8 : i32
      %mul3A_753 = arith.muli %scan3A_568, %mul3A_752 : i32
      %add3A_754 = arith.constant 4 : i32
      %add3A_755 = arith.addi %mul3A_753, %add3A_754 : i32
      %dma_start3A_756 = arith.constant 4 : i32
      %dma_start3A_757 = arith.constant 4 : i32
      %dma_start3A_758 = arith.constant 0 : i32
      %dma_start3A_759 = arith.constant 0 : i32
      %dma_start3A_760 = tpu.memref_slice %arg7[%dma_start3A_756, %dma_start3A_758, %dma_start3A_759] : memref<8x100x64xbf16, #tpu.memory_space<vmem>> -> memref<1x100x64xbf16, #tpu.memory_space<vmem>>
      %dma_start3A_761 = tpu.memref_squeeze %dma_start3A_760 : memref<1x100x64xbf16, #tpu.memory_space<vmem>> -> memref<100x64xbf16, #tpu.memory_space<vmem>>
      %dma_start3A_762 = arith.constant 0 : i32
      %dma_start3A_763 = tpu.memref_slice %arg6[%add3A_755, %dma_start3A_762] : memref<200x100xi32, #tpu.memory_space<vmem>> -> memref<1x100xi32, #tpu.memory_space<vmem>>
      %dma_start3A_764 = tpu.memref_squeeze %dma_start3A_763 : memref<1x100xi32, #tpu.memory_space<vmem>> -> memref<100xi32, #tpu.memory_space<vmem>>
      %dma_start3A_765 = arith.constant 0 : i32
      %dma_start3A_766 = arith.constant 0 : i32
      %dma_start3A_767 = tpu.memref_slice %arg9[%dma_start3A_765, %dma_start3A_766] : memref<10240x64xbf16, #tpu.memory_space<vmem_shared>> -> memref<10240x64xbf16, #tpu.memory_space<vmem_shared>>
      %dma_start3A_768 = tpu.memref_slice %arg11[%dma_start3A_757] : memref<8x!tpu.dma_semaphore, #tpu.memory_space<semaphore_mem>> -> memref<1x!tpu.dma_semaphore, #tpu.memory_space<semaphore_mem>>
      %dma_start3A_769 = tpu.memref_squeeze %dma_start3A_768 : memref<1x!tpu.dma_semaphore, #tpu.memory_space<semaphore_mem>> -> memref<!tpu.dma_semaphore, #tpu.memory_space<semaphore_mem>>
      tpu.enqueue_indirect_dma source(%dma_start3A_761 : memref<100x64xbf16, #tpu.memory_space<vmem>>) target(%dma_start3A_767 : memref<10240x64xbf16, #tpu.memory_space<vmem_shared>>) offsets(%dma_start3A_764 : memref<100xi32, #tpu.memory_space<vmem>>) semaphore(%dma_start3A_769 : memref<!tpu.dma_semaphore, #tpu.memory_space<semaphore_mem>>) {add = true}
      %mul3A_770 = arith.constant 8 : i32
      %mul3A_771 = arith.muli %scan3A_568, %mul3A_770 : i32
      %add3A_772 = arith.constant 5 : i32
      %add3A_773 = arith.addi %mul3A_771, %add3A_772 : i32
      %dma_wait3A_774 = arith.constant 5 : i32
      %dma_wait3A_775 = arith.constant 5 : i32
      %dma_wait3A_776 = arith.constant 0 : i32
      %dma_wait3A_777 = arith.constant 0 : i32
      %dma_wait3A_778 = tpu.memref_slice %arg7[%dma_wait3A_774, %dma_wait3A_776, %dma_wait3A_777] : memref<8x100x64xbf16, #tpu.memory_space<vmem>> -> memref<1x100x64xbf16, #tpu.memory_space<vmem>>
      %dma_wait3A_779 = tpu.memref_squeeze %dma_wait3A_778 : memref<1x100x64xbf16, #tpu.memory_space<vmem>> -> memref<100x64xbf16, #tpu.memory_space<vmem>>
      %dma_wait3A_780 = arith.constant 0 : i32
      %dma_wait3A_781 = tpu.memref_slice %arg5[%add3A_773, %dma_wait3A_780] : memref<200x100xi32, #tpu.memory_space<vmem>> -> memref<1x100xi32, #tpu.memory_space<vmem>>
      %dma_wait3A_782 = tpu.memref_squeeze %dma_wait3A_781 : memref<1x100xi32, #tpu.memory_space<vmem>> -> memref<100xi32, #tpu.memory_space<vmem>>
      %dma_wait3A_783 = arith.constant 0 : i32
      %dma_wait3A_784 = arith.constant 0 : i32
      %dma_wait3A_785 = tpu.memref_slice %arg2[%arg0, %dma_wait3A_783, %dma_wait3A_784] : memref<2x10000x64xbf16, #tpu.memory_space<hbm>> -> memref<1x10000x64xbf16, #tpu.memory_space<hbm>>
      %dma_wait3A_786 = tpu.memref_squeeze %dma_wait3A_785 : memref<1x10000x64xbf16, #tpu.memory_space<hbm>> -> memref<10000x64xbf16, #tpu.memory_space<hbm>>
      %dma_wait3A_787 = arith.constant 0 : i32
      %dma_wait3A_788 = arith.constant 0 : i32
      %dma_wait3A_789 = tpu.memref_slice %dma_wait3A_786[%dma_wait3A_787, %dma_wait3A_788] : memref<10000x64xbf16, #tpu.memory_space<hbm>> -> memref<10000x64xbf16, #tpu.memory_space<hbm>>
      %dma_wait3A_790 = tpu.memref_slice %arg10[%dma_wait3A_775] : memref<8x!tpu.dma_semaphore, #tpu.memory_space<semaphore_mem>> -> memref<1x!tpu.dma_semaphore, #tpu.memory_space<semaphore_mem>>
      %dma_wait3A_791 = tpu.memref_squeeze %dma_wait3A_790 : memref<1x!tpu.dma_semaphore, #tpu.memory_space<semaphore_mem>> -> memref<!tpu.dma_semaphore, #tpu.memory_space<semaphore_mem>>
      tpu.wait_indirect_dma semaphore(%dma_wait3A_791 : memref<!tpu.dma_semaphore, #tpu.memory_space<semaphore_mem>>) src(%dma_wait3A_789 : memref<10000x64xbf16, #tpu.memory_space<hbm>>) dst(%dma_wait3A_779 : memref<100x64xbf16, #tpu.memory_space<vmem>>)
      %mul3A_792 = arith.constant 8 : i32
      %mul3A_793 = arith.muli %scan3A_568, %mul3A_792 : i32
      %add3A_794 = arith.constant 5 : i32
      %add3A_795 = arith.addi %mul3A_793, %add3A_794 : i32
      %dma_start3A_796 = arith.constant 5 : i32
      %dma_start3A_797 = arith.constant 5 : i32
      %dma_start3A_798 = arith.constant 0 : i32
      %dma_start3A_799 = arith.constant 0 : i32
      %dma_start3A_800 = tpu.memref_slice %arg7[%dma_start3A_796, %dma_start3A_798, %dma_start3A_799] : memref<8x100x64xbf16, #tpu.memory_space<vmem>> -> memref<1x100x64xbf16, #tpu.memory_space<vmem>>
      %dma_start3A_801 = tpu.memref_squeeze %dma_start3A_800 : memref<1x100x64xbf16, #tpu.memory_space<vmem>> -> memref<100x64xbf16, #tpu.memory_space<vmem>>
      %dma_start3A_802 = arith.constant 0 : i32
      %dma_start3A_803 = tpu.memref_slice %arg6[%add3A_795, %dma_start3A_802] : memref<200x100xi32, #tpu.memory_space<vmem>> -> memref<1x100xi32, #tpu.memory_space<vmem>>
      %dma_start3A_804 = tpu.memref_squeeze %dma_start3A_803 : memref<1x100xi32, #tpu.memory_space<vmem>> -> memref<100xi32, #tpu.memory_space<vmem>>
      %dma_start3A_805 = arith.constant 0 : i32
      %dma_start3A_806 = arith.constant 0 : i32
      %dma_start3A_807 = tpu.memref_slice %arg9[%dma_start3A_805, %dma_start3A_806] : memref<10240x64xbf16, #tpu.memory_space<vmem_shared>> -> memref<10240x64xbf16, #tpu.memory_space<vmem_shared>>
      %dma_start3A_808 = tpu.memref_slice %arg11[%dma_start3A_797] : memref<8x!tpu.dma_semaphore, #tpu.memory_space<semaphore_mem>> -> memref<1x!tpu.dma_semaphore, #tpu.memory_space<semaphore_mem>>
      %dma_start3A_809 = tpu.memref_squeeze %dma_start3A_808 : memref<1x!tpu.dma_semaphore, #tpu.memory_space<semaphore_mem>> -> memref<!tpu.dma_semaphore, #tpu.memory_space<semaphore_mem>>
      tpu.enqueue_indirect_dma source(%dma_start3A_801 : memref<100x64xbf16, #tpu.memory_space<vmem>>) target(%dma_start3A_807 : memref<10240x64xbf16, #tpu.memory_space<vmem_shared>>) offsets(%dma_start3A_804 : memref<100xi32, #tpu.memory_space<vmem>>) semaphore(%dma_start3A_809 : memref<!tpu.dma_semaphore, #tpu.memory_space<semaphore_mem>>) {add = true}
      %mul3A_810 = arith.constant 8 : i32
      %mul3A_811 = arith.muli %scan3A_568, %mul3A_810 : i32
      %add3A_812 = arith.constant 6 : i32
      %add3A_813 = arith.addi %mul3A_811, %add3A_812 : i32
      %dma_wait3A_814 = arith.constant 6 : i32
      %dma_wait3A_815 = arith.constant 6 : i32
      %dma_wait3A_816 = arith.constant 0 : i32
      %dma_wait3A_817 = arith.constant 0 : i32
      %dma_wait3A_818 = tpu.memref_slice %arg7[%dma_wait3A_814, %dma_wait3A_816, %dma_wait3A_817] : memref<8x100x64xbf16, #tpu.memory_space<vmem>> -> memref<1x100x64xbf16, #tpu.memory_space<vmem>>
      %dma_wait3A_819 = tpu.memref_squeeze %dma_wait3A_818 : memref<1x100x64xbf16, #tpu.memory_space<vmem>> -> memref<100x64xbf16, #tpu.memory_space<vmem>>
      %dma_wait3A_820 = arith.constant 0 : i32
      %dma_wait3A_821 = tpu.memref_slice %arg5[%add3A_813, %dma_wait3A_820] : memref<200x100xi32, #tpu.memory_space<vmem>> -> memref<1x100xi32, #tpu.memory_space<vmem>>
      %dma_wait3A_822 = tpu.memref_squeeze %dma_wait3A_821 : memref<1x100xi32, #tpu.memory_space<vmem>> -> memref<100xi32, #tpu.memory_space<vmem>>
      %dma_wait3A_823 = arith.constant 0 : i32
      %dma_wait3A_824 = arith.constant 0 : i32
      %dma_wait3A_825 = tpu.memref_slice %arg2[%arg0, %dma_wait3A_823, %dma_wait3A_824] : memref<2x10000x64xbf16, #tpu.memory_space<hbm>> -> memref<1x10000x64xbf16, #tpu.memory_space<hbm>>
      %dma_wait3A_826 = tpu.memref_squeeze %dma_wait3A_825 : memref<1x10000x64xbf16, #tpu.memory_space<hbm>> -> memref<10000x64xbf16, #tpu.memory_space<hbm>>
      %dma_wait3A_827 = arith.constant 0 : i32
      %dma_wait3A_828 = arith.constant 0 : i32
      %dma_wait3A_829 = tpu.memref_slice %dma_wait3A_826[%dma_wait3A_827, %dma_wait3A_828] : memref<10000x64xbf16, #tpu.memory_space<hbm>> -> memref<10000x64xbf16, #tpu.memory_space<hbm>>
      %dma_wait3A_830 = tpu.memref_slice %arg10[%dma_wait3A_815] : memref<8x!tpu.dma_semaphore, #tpu.memory_space<semaphore_mem>> -> memref<1x!tpu.dma_semaphore, #tpu.memory_space<semaphore_mem>>
      %dma_wait3A_831 = tpu.memref_squeeze %dma_wait3A_830 : memref<1x!tpu.dma_semaphore, #tpu.memory_space<semaphore_mem>> -> memref<!tpu.dma_semaphore, #tpu.memory_space<semaphore_mem>>
      tpu.wait_indirect_dma semaphore(%dma_wait3A_831 : memref<!tpu.dma_semaphore, #tpu.memory_space<semaphore_mem>>) src(%dma_wait3A_829 : memref<10000x64xbf16, #tpu.memory_space<hbm>>) dst(%dma_wait3A_819 : memref<100x64xbf16, #tpu.memory_space<vmem>>)
      %mul3A_832 = arith.constant 8 : i32
      %mul3A_833 = arith.muli %scan3A_568, %mul3A_832 : i32
      %add3A_834 = arith.constant 6 : i32
      %add3A_835 = arith.addi %mul3A_833, %add3A_834 : i32
      %dma_start3A_836 = arith.constant 6 : i32
      %dma_start3A_837 = arith.constant 6 : i32
      %dma_start3A_838 = arith.constant 0 : i32
      %dma_start3A_839 = arith.constant 0 : i32
      %dma_start3A_840 = tpu.memref_slice %arg7[%dma_start3A_836, %dma_start3A_838, %dma_start3A_839] : memref<8x100x64xbf16, #tpu.memory_space<vmem>> -> memref<1x100x64xbf16, #tpu.memory_space<vmem>>
      %dma_start3A_841 = tpu.memref_squeeze %dma_start3A_840 : memref<1x100x64xbf16, #tpu.memory_space<vmem>> -> memref<100x64xbf16, #tpu.memory_space<vmem>>
      %dma_start3A_842 = arith.constant 0 : i32
      %dma_start3A_843 = tpu.memref_slice %arg6[%add3A_835, %dma_start3A_842] : memref<200x100xi32, #tpu.memory_space<vmem>> -> memref<1x100xi32, #tpu.memory_space<vmem>>
      %dma_start3A_844 = tpu.memref_squeeze %dma_start3A_843 : memref<1x100xi32, #tpu.memory_space<vmem>> -> memref<100xi32, #tpu.memory_space<vmem>>
      %dma_start3A_845 = arith.constant 0 : i32
      %dma_start3A_846 = arith.constant 0 : i32
      %dma_start3A_847 = tpu.memref_slice %arg9[%dma_start3A_845, %dma_start3A_846] : memref<10240x64xbf16, #tpu.memory_space<vmem_shared>> -> memref<10240x64xbf16, #tpu.memory_space<vmem_shared>>
      %dma_start3A_848 = tpu.memref_slice %arg11[%dma_start3A_837] : memref<8x!tpu.dma_semaphore, #tpu.memory_space<semaphore_mem>> -> memref<1x!tpu.dma_semaphore, #tpu.memory_space<semaphore_mem>>
      %dma_start3A_849 = tpu.memref_squeeze %dma_start3A_848 : memref<1x!tpu.dma_semaphore, #tpu.memory_space<semaphore_mem>> -> memref<!tpu.dma_semaphore, #tpu.memory_space<semaphore_mem>>
      tpu.enqueue_indirect_dma source(%dma_start3A_841 : memref<100x64xbf16, #tpu.memory_space<vmem>>) target(%dma_start3A_847 : memref<10240x64xbf16, #tpu.memory_space<vmem_shared>>) offsets(%dma_start3A_844 : memref<100xi32, #tpu.memory_space<vmem>>) semaphore(%dma_start3A_849 : memref<!tpu.dma_semaphore, #tpu.memory_space<semaphore_mem>>) {add = true}
      %mul3A_850 = arith.constant 8 : i32
      %mul3A_851 = arith.muli %scan3A_568, %mul3A_850 : i32
      %add3A_852 = arith.constant 7 : i32
      %add3A_853 = arith.addi %mul3A_851, %add3A_852 : i32
      %dma_wait3A_854 = arith.constant 7 : i32
      %dma_wait3A_855 = arith.constant 7 : i32
      %dma_wait3A_856 = arith.constant 0 : i32
      %dma_wait3A_857 = arith.constant 0 : i32
      %dma_wait3A_858 = tpu.memref_slice %arg7[%dma_wait3A_854, %dma_wait3A_856, %dma_wait3A_857] : memref<8x100x64xbf16, #tpu.memory_space<vmem>> -> memref<1x100x64xbf16, #tpu.memory_space<vmem>>
      %dma_wait3A_859 = tpu.memref_squeeze %dma_wait3A_858 : memref<1x100x64xbf16, #tpu.memory_space<vmem>> -> memref<100x64xbf16, #tpu.memory_space<vmem>>
      %dma_wait3A_860 = arith.constant 0 : i32
      %dma_wait3A_861 = tpu.memref_slice %arg5[%add3A_853, %dma_wait3A_860] : memref<200x100xi32, #tpu.memory_space<vmem>> -> memref<1x100xi32, #tpu.memory_space<vmem>>
      %dma_wait3A_862 = tpu.memref_squeeze %dma_wait3A_861 : memref<1x100xi32, #tpu.memory_space<vmem>> -> memref<100xi32, #tpu.memory_space<vmem>>
      %dma_wait3A_863 = arith.constant 0 : i32
      %dma_wait3A_864 = arith.constant 0 : i32
      %dma_wait3A_865 = tpu.memref_slice %arg2[%arg0, %dma_wait3A_863, %dma_wait3A_864] : memref<2x10000x64xbf16, #tpu.memory_space<hbm>> -> memref<1x10000x64xbf16, #tpu.memory_space<hbm>>
      %dma_wait3A_866 = tpu.memref_squeeze %dma_wait3A_865 : memref<1x10000x64xbf16, #tpu.memory_space<hbm>> -> memref<10000x64xbf16, #tpu.memory_space<hbm>>
      %dma_wait3A_867 = arith.constant 0 : i32
      %dma_wait3A_868 = arith.constant 0 : i32
      %dma_wait3A_869 = tpu.memref_slice %dma_wait3A_866[%dma_wait3A_867, %dma_wait3A_868] : memref<10000x64xbf16, #tpu.memory_space<hbm>> -> memref<10000x64xbf16, #tpu.memory_space<hbm>>
      %dma_wait3A_870 = tpu.memref_slice %arg10[%dma_wait3A_855] : memref<8x!tpu.dma_semaphore, #tpu.memory_space<semaphore_mem>> -> memref<1x!tpu.dma_semaphore, #tpu.memory_space<semaphore_mem>>
      %dma_wait3A_871 = tpu.memref_squeeze %dma_wait3A_870 : memref<1x!tpu.dma_semaphore, #tpu.memory_space<semaphore_mem>> -> memref<!tpu.dma_semaphore, #tpu.memory_space<semaphore_mem>>
      tpu.wait_indirect_dma semaphore(%dma_wait3A_871 : memref<!tpu.dma_semaphore, #tpu.memory_space<semaphore_mem>>) src(%dma_wait3A_869 : memref<10000x64xbf16, #tpu.memory_space<hbm>>) dst(%dma_wait3A_859 : memref<100x64xbf16, #tpu.memory_space<vmem>>)
      %mul3A_872 = arith.constant 8 : i32
      %mul3A_873 = arith.muli %scan3A_568, %mul3A_872 : i32
      %add3A_874 = arith.constant 7 : i32
      %add3A_875 = arith.addi %mul3A_873, %add3A_874 : i32
      %dma_start3A_876 = arith.constant 7 : i32
      %dma_start3A_877 = arith.constant 7 : i32
      %dma_start3A_878 = arith.constant 0 : i32
      %dma_start3A_879 = arith.constant 0 : i32
      %dma_start3A_880 = tpu.memref_slice %arg7[%dma_start3A_876, %dma_start3A_878, %dma_start3A_879] : memref<8x100x64xbf16, #tpu.memory_space<vmem>> -> memref<1x100x64xbf16, #tpu.memory_space<vmem>>
      %dma_start3A_881 = tpu.memref_squeeze %dma_start3A_880 : memref<1x100x64xbf16, #tpu.memory_space<vmem>> -> memref<100x64xbf16, #tpu.memory_space<vmem>>
      %dma_start3A_882 = arith.constant 0 : i32
      %dma_start3A_883 = tpu.memref_slice %arg6[%add3A_875, %dma_start3A_882] : memref<200x100xi32, #tpu.memory_space<vmem>> -> memref<1x100xi32, #tpu.memory_space<vmem>>
      %dma_start3A_884 = tpu.memref_squeeze %dma_start3A_883 : memref<1x100xi32, #tpu.memory_space<vmem>> -> memref<100xi32, #tpu.memory_space<vmem>>
      %dma_start3A_885 = arith.constant 0 : i32
      %dma_start3A_886 = arith.constant 0 : i32
      %dma_start3A_887 = tpu.memref_slice %arg9[%dma_start3A_885, %dma_start3A_886] : memref<10240x64xbf16, #tpu.memory_space<vmem_shared>> -> memref<10240x64xbf16, #tpu.memory_space<vmem_shared>>
      %dma_start3A_888 = tpu.memref_slice %arg11[%dma_start3A_877] : memref<8x!tpu.dma_semaphore, #tpu.memory_space<semaphore_mem>> -> memref<1x!tpu.dma_semaphore, #tpu.memory_space<semaphore_mem>>
      %dma_start3A_889 = tpu.memref_squeeze %dma_start3A_888 : memref<1x!tpu.dma_semaphore, #tpu.memory_space<semaphore_mem>> -> memref<!tpu.dma_semaphore, #tpu.memory_space<semaphore_mem>>
      tpu.enqueue_indirect_dma source(%dma_start3A_881 : memref<100x64xbf16, #tpu.memory_space<vmem>>) target(%dma_start3A_887 : memref<10240x64xbf16, #tpu.memory_space<vmem_shared>>) offsets(%dma_start3A_884 : memref<100xi32, #tpu.memory_space<vmem>>) semaphore(%dma_start3A_889 : memref<!tpu.dma_semaphore, #tpu.memory_space<semaphore_mem>>) {add = true}
      %mul3A_890 = arith.constant 8 : i32
      %mul3A_891 = arith.muli %scan3A_568, %mul3A_890 : i32
      %add3A_892 = arith.constant 0 : i32
      %add3A_893 = arith.addi %mul3A_891, %add3A_892 : i32
      %dma_wait3A_894 = arith.constant 0 : i32
      %dma_wait3A_895 = arith.constant 0 : i32
      %dma_wait3A_896 = arith.constant 0 : i32
      %dma_wait3A_897 = arith.constant 0 : i32
      %dma_wait3A_898 = tpu.memref_slice %arg7[%dma_wait3A_894, %dma_wait3A_896, %dma_wait3A_897] : memref<8x100x64xbf16, #tpu.memory_space<vmem>> -> memref<1x100x64xbf16, #tpu.memory_space<vmem>>
      %dma_wait3A_899 = tpu.memref_squeeze %dma_wait3A_898 : memref<1x100x64xbf16, #tpu.memory_space<vmem>> -> memref<100x64xbf16, #tpu.memory_space<vmem>>
      %dma_wait3A_900 = arith.constant 0 : i32
      %dma_wait3A_901 = tpu.memref_slice %arg6[%add3A_893, %dma_wait3A_900] : memref<200x100xi32, #tpu.memory_space<vmem>> -> memref<1x100xi32, #tpu.memory_space<vmem>>
      %dma_wait3A_902 = tpu.memref_squeeze %dma_wait3A_901 : memref<1x100xi32, #tpu.memory_space<vmem>> -> memref<100xi32, #tpu.memory_space<vmem>>
      %dma_wait3A_903 = arith.constant 0 : i32
      %dma_wait3A_904 = arith.constant 0 : i32
      %dma_wait3A_905 = tpu.memref_slice %arg9[%dma_wait3A_903, %dma_wait3A_904] : memref<10240x64xbf16, #tpu.memory_space<vmem_shared>> -> memref<10240x64xbf16, #tpu.memory_space<vmem_shared>>
      %dma_wait3A_906 = tpu.memref_slice %arg11[%dma_wait3A_895] : memref<8x!tpu.dma_semaphore, #tpu.memory_space<semaphore_mem>> -> memref<1x!tpu.dma_semaphore, #tpu.memory_space<semaphore_mem>>
      %dma_wait3A_907 = tpu.memref_squeeze %dma_wait3A_906 : memref<1x!tpu.dma_semaphore, #tpu.memory_space<semaphore_mem>> -> memref<!tpu.dma_semaphore, #tpu.memory_space<semaphore_mem>>
      tpu.wait_indirect_dma semaphore(%dma_wait3A_907 : memref<!tpu.dma_semaphore, #tpu.memory_space<semaphore_mem>>) src(%dma_wait3A_899 : memref<100x64xbf16, #tpu.memory_space<vmem>>) dst(%dma_wait3A_905 : memref<10240x64xbf16, #tpu.memory_space<vmem_shared>>)
      %add3A_908 = arith.constant 1 : i32
      %add3A_909 = arith.addi %scan3A_568, %add3A_908 : i32
      %mul3A_910 = arith.constant 8 : i32
      %mul3A_911 = arith.muli %add3A_909, %mul3A_910 : i32
      %add3A_912 = arith.constant 0 : i32
      %add3A_913 = arith.addi %mul3A_911, %add3A_912 : i32
      %dma_start3A_914 = arith.constant 0 : i32
      %dma_start3A_915 = arith.constant 0 : i32
      %dma_start3A_916 = arith.constant 0 : i32
      %dma_start3A_917 = arith.constant 0 : i32
      %dma_start3A_918 = tpu.memref_slice %arg7[%dma_start3A_914, %dma_start3A_916, %dma_start3A_917] : memref<8x100x64xbf16, #tpu.memory_space<vmem>> -> memref<1x100x64xbf16, #tpu.memory_space<vmem>>
      %dma_start3A_919 = tpu.memref_squeeze %dma_start3A_918 : memref<1x100x64xbf16, #tpu.memory_space<vmem>> -> memref<100x64xbf16, #tpu.memory_space<vmem>>
      %dma_start3A_920 = arith.constant 0 : i32
      %dma_start3A_921 = tpu.memref_slice %arg5[%add3A_913, %dma_start3A_920] : memref<200x100xi32, #tpu.memory_space<vmem>> -> memref<1x100xi32, #tpu.memory_space<vmem>>
      %dma_start3A_922 = tpu.memref_squeeze %dma_start3A_921 : memref<1x100xi32, #tpu.memory_space<vmem>> -> memref<100xi32, #tpu.memory_space<vmem>>
      %dma_start3A_923 = arith.constant 0 : i32
      %dma_start3A_924 = arith.constant 0 : i32
      %dma_start3A_925 = tpu.memref_slice %arg2[%arg0, %dma_start3A_923, %dma_start3A_924] : memref<2x10000x64xbf16, #tpu.memory_space<hbm>> -> memref<1x10000x64xbf16, #tpu.memory_space<hbm>>
      %dma_start3A_926 = tpu.memref_squeeze %dma_start3A_925 : memref<1x10000x64xbf16, #tpu.memory_space<hbm>> -> memref<10000x64xbf16, #tpu.memory_space<hbm>>
      %dma_start3A_927 = arith.constant 0 : i32
      %dma_start3A_928 = arith.constant 0 : i32
      %dma_start3A_929 = tpu.memref_slice %dma_start3A_926[%dma_start3A_927, %dma_start3A_928] : memref<10000x64xbf16, #tpu.memory_space<hbm>> -> memref<10000x64xbf16, #tpu.memory_space<hbm>>
      %dma_start3A_930 = tpu.memref_slice %arg10[%dma_start3A_915] : memref<8x!tpu.dma_semaphore, #tpu.memory_space<semaphore_mem>> -> memref<1x!tpu.dma_semaphore, #tpu.memory_space<semaphore_mem>>
      %dma_start3A_931 = tpu.memref_squeeze %dma_start3A_930 : memref<1x!tpu.dma_semaphore, #tpu.memory_space<semaphore_mem>> -> memref<!tpu.dma_semaphore, #tpu.memory_space<semaphore_mem>>
      tpu.enqueue_indirect_dma source(%dma_start3A_929 : memref<10000x64xbf16, #tpu.memory_space<hbm>>) target(%dma_start3A_919 : memref<100x64xbf16, #tpu.memory_space<vmem>>) offsets(%dma_start3A_922 : memref<100xi32, #tpu.memory_space<vmem>>) semaphore(%dma_start3A_931 : memref<!tpu.dma_semaphore, #tpu.memory_space<semaphore_mem>>)
      %mul3A_932 = arith.constant 8 : i32
      %mul3A_933 = arith.muli %scan3A_568, %mul3A_932 : i32
      %add3A_934 = arith.constant 1 : i32
      %add3A_935 = arith.addi %mul3A_933, %add3A_934 : i32
      %dma_wait3A_936 = arith.constant 1 : i32
      %dma_wait3A_937 = arith.constant 1 : i32
      %dma_wait3A_938 = arith.constant 0 : i32
      %dma_wait3A_939 = arith.constant 0 : i32
      %dma_wait3A_940 = tpu.memref_slice %arg7[%dma_wait3A_936, %dma_wait3A_938, %dma_wait3A_939] : memref<8x100x64xbf16, #tpu.memory_space<vmem>> -> memref<1x100x64xbf16, #tpu.memory_space<vmem>>
      %dma_wait3A_941 = tpu.memref_squeeze %dma_wait3A_940 : memref<1x100x64xbf16, #tpu.memory_space<vmem>> -> memref<100x64xbf16, #tpu.memory_space<vmem>>
      %dma_wait3A_942 = arith.constant 0 : i32
      %dma_wait3A_943 = tpu.memref_slice %arg6[%add3A_935, %dma_wait3A_942] : memref<200x100xi32, #tpu.memory_space<vmem>> -> memref<1x100xi32, #tpu.memory_space<vmem>>
      %dma_wait3A_944 = tpu.memref_squeeze %dma_wait3A_943 : memref<1x100xi32, #tpu.memory_space<vmem>> -> memref<100xi32, #tpu.memory_space<vmem>>
      %dma_wait3A_945 = arith.constant 0 : i32
      %dma_wait3A_946 = arith.constant 0 : i32
      %dma_wait3A_947 = tpu.memref_slice %arg9[%dma_wait3A_945, %dma_wait3A_946] : memref<10240x64xbf16, #tpu.memory_space<vmem_shared>> -> memref<10240x64xbf16, #tpu.memory_space<vmem_shared>>
      %dma_wait3A_948 = tpu.memref_slice %arg11[%dma_wait3A_937] : memref<8x!tpu.dma_semaphore, #tpu.memory_space<semaphore_mem>> -> memref<1x!tpu.dma_semaphore, #tpu.memory_space<semaphore_mem>>
      %dma_wait3A_949 = tpu.memref_squeeze %dma_wait3A_948 : memref<1x!tpu.dma_semaphore, #tpu.memory_space<semaphore_mem>> -> memref<!tpu.dma_semaphore, #tpu.memory_space<semaphore_mem>>
      tpu.wait_indirect_dma semaphore(%dma_wait3A_949 : memref<!tpu.dma_semaphore, #tpu.memory_space<semaphore_mem>>) src(%dma_wait3A_941 : memref<100x64xbf16, #tpu.memory_space<vmem>>) dst(%dma_wait3A_947 : memref<10240x64xbf16, #tpu.memory_space<vmem_shared>>)
      %add3A_950 = arith.constant 1 : i32
      %add3A_951 = arith.addi %scan3A_568, %add3A_950 : i32
      %mul3A_952 = arith.constant 8 : i32
      %mul3A_953 = arith.muli %add3A_951, %mul3A_952 : i32
      %add3A_954 = arith.constant 1 : i32
      %add3A_955 = arith.addi %mul3A_953, %add3A_954 : i32
      %dma_start3A_956 = arith.constant 1 : i32
      %dma_start3A_957 = arith.constant 1 : i32
      %dma_start3A_958 = arith.constant 0 : i32
      %dma_start3A_959 = arith.constant 0 : i32
      %dma_start3A_960 = tpu.memref_slice %arg7[%dma_start3A_956, %dma_start3A_958, %dma_start3A_959] : memref<8x100x64xbf16, #tpu.memory_space<vmem>> -> memref<1x100x64xbf16, #tpu.memory_space<vmem>>
      %dma_start3A_961 = tpu.memref_squeeze %dma_start3A_960 : memref<1x100x64xbf16, #tpu.memory_space<vmem>> -> memref<100x64xbf16, #tpu.memory_space<vmem>>
      %dma_start3A_962 = arith.constant 0 : i32
      %dma_start3A_963 = tpu.memref_slice %arg5[%add3A_955, %dma_start3A_962] : memref<200x100xi32, #tpu.memory_space<vmem>> -> memref<1x100xi32, #tpu.memory_space<vmem>>
      %dma_start3A_964 = tpu.memref_squeeze %dma_start3A_963 : memref<1x100xi32, #tpu.memory_space<vmem>> -> memref<100xi32, #tpu.memory_space<vmem>>
      %dma_start3A_965 = arith.constant 0 : i32
      %dma_start3A_966 = arith.constant 0 : i32
      %dma_start3A_967 = tpu.memref_slice %arg2[%arg0, %dma_start3A_965, %dma_start3A_966] : memref<2x10000x64xbf16, #tpu.memory_space<hbm>> -> memref<1x10000x64xbf16, #tpu.memory_space<hbm>>
      %dma_start3A_968 = tpu.memref_squeeze %dma_start3A_967 : memref<1x10000x64xbf16, #tpu.memory_space<hbm>> -> memref<10000x64xbf16, #tpu.memory_space<hbm>>
      %dma_start3A_969 = arith.constant 0 : i32
      %dma_start3A_970 = arith.constant 0 : i32
      %dma_start3A_971 = tpu.memref_slice %dma_start3A_968[%dma_start3A_969, %dma_start3A_970] : memref<10000x64xbf16, #tpu.memory_space<hbm>> -> memref<10000x64xbf16, #tpu.memory_space<hbm>>
      %dma_start3A_972 = tpu.memref_slice %arg10[%dma_start3A_957] : memref<8x!tpu.dma_semaphore, #tpu.memory_space<semaphore_mem>> -> memref<1x!tpu.dma_semaphore, #tpu.memory_space<semaphore_mem>>
      %dma_start3A_973 = tpu.memref_squeeze %dma_start3A_972 : memref<1x!tpu.dma_semaphore, #tpu.memory_space<semaphore_mem>> -> memref<!tpu.dma_semaphore, #tpu.memory_space<semaphore_mem>>
      tpu.enqueue_indirect_dma source(%dma_start3A_971 : memref<10000x64xbf16, #tpu.memory_space<hbm>>) target(%dma_start3A_961 : memref<100x64xbf16, #tpu.memory_space<vmem>>) offsets(%dma_start3A_964 : memref<100xi32, #tpu.memory_space<vmem>>) semaphore(%dma_start3A_973 : memref<!tpu.dma_semaphore, #tpu.memory_space<semaphore_mem>>)
      %mul3A_974 = arith.constant 8 : i32
      %mul3A_975 = arith.muli %scan3A_568, %mul3A_974 : i32
      %add3A_976 = arith.constant 2 : i32
      %add3A_977 = arith.addi %mul3A_975, %add3A_976 : i32
      %dma_wait3A_978 = arith.constant 2 : i32
      %dma_wait3A_979 = arith.constant 2 : i32
      %dma_wait3A_980 = arith.constant 0 : i32
      %dma_wait3A_981 = arith.constant 0 : i32
      %dma_wait3A_982 = tpu.memref_slice %arg7[%dma_wait3A_978, %dma_wait3A_980, %dma_wait3A_981] : memref<8x100x64xbf16, #tpu.memory_space<vmem>> -> memref<1x100x64xbf16, #tpu.memory_space<vmem>>
      %dma_wait3A_983 = tpu.memref_squeeze %dma_wait3A_982 : memref<1x100x64xbf16, #tpu.memory_space<vmem>> -> memref<100x64xbf16, #tpu.memory_space<vmem>>
      %dma_wait3A_984 = arith.constant 0 : i32
      %dma_wait3A_985 = tpu.memref_slice %arg6[%add3A_977, %dma_wait3A_984] : memref<200x100xi32, #tpu.memory_space<vmem>> -> memref<1x100xi32, #tpu.memory_space<vmem>>
      %dma_wait3A_986 = tpu.memref_squeeze %dma_wait3A_985 : memref<1x100xi32, #tpu.memory_space<vmem>> -> memref<100xi32, #tpu.memory_space<vmem>>
      %dma_wait3A_987 = arith.constant 0 : i32
      %dma_wait3A_988 = arith.constant 0 : i32
      %dma_wait3A_989 = tpu.memref_slice %arg9[%dma_wait3A_987, %dma_wait3A_988] : memref<10240x64xbf16, #tpu.memory_space<vmem_shared>> -> memref<10240x64xbf16, #tpu.memory_space<vmem_shared>>
      %dma_wait3A_990 = tpu.memref_slice %arg11[%dma_wait3A_979] : memref<8x!tpu.dma_semaphore, #tpu.memory_space<semaphore_mem>> -> memref<1x!tpu.dma_semaphore, #tpu.memory_space<semaphore_mem>>
      %dma_wait3A_991 = tpu.memref_squeeze %dma_wait3A_990 : memref<1x!tpu.dma_semaphore, #tpu.memory_space<semaphore_mem>> -> memref<!tpu.dma_semaphore, #tpu.memory_space<semaphore_mem>>
      tpu.wait_indirect_dma semaphore(%dma_wait3A_991 : memref<!tpu.dma_semaphore, #tpu.memory_space<semaphore_mem>>) src(%dma_wait3A_983 : memref<100x64xbf16, #tpu.memory_space<vmem>>) dst(%dma_wait3A_989 : memref<10240x64xbf16, #tpu.memory_space<vmem_shared>>)
      %add3A_992 = arith.constant 1 : i32
      %add3A_993 = arith.addi %scan3A_568, %add3A_992 : i32
      %mul3A_994 = arith.constant 8 : i32
      %mul3A_995 = arith.muli %add3A_993, %mul3A_994 : i32
      %add3A_996 = arith.constant 2 : i32
      %add3A_997 = arith.addi %mul3A_995, %add3A_996 : i32
      %dma_start3A_998 = arith.constant 2 : i32
      %dma_start3A_999 = arith.constant 2 : i32
      %dma_start3A_1000 = arith.constant 0 : i32
      %dma_start3A_1001 = arith.constant 0 : i32
      %dma_start3A_1002 = tpu.memref_slice %arg7[%dma_start3A_998, %dma_start3A_1000, %dma_start3A_1001] : memref<8x100x64xbf16, #tpu.memory_space<vmem>> -> memref<1x100x64xbf16, #tpu.memory_space<vmem>>
      %dma_start3A_1003 = tpu.memref_squeeze %dma_start3A_1002 : memref<1x100x64xbf16, #tpu.memory_space<vmem>> -> memref<100x64xbf16, #tpu.memory_space<vmem>>
      %dma_start3A_1004 = arith.constant 0 : i32
      %dma_start3A_1005 = tpu.memref_slice %arg5[%add3A_997, %dma_start3A_1004] : memref<200x100xi32, #tpu.memory_space<vmem>> -> memref<1x100xi32, #tpu.memory_space<vmem>>
      %dma_start3A_1006 = tpu.memref_squeeze %dma_start3A_1005 : memref<1x100xi32, #tpu.memory_space<vmem>> -> memref<100xi32, #tpu.memory_space<vmem>>
      %dma_start3A_1007 = arith.constant 0 : i32
      %dma_start3A_1008 = arith.constant 0 : i32
      %dma_start3A_1009 = tpu.memref_slice %arg2[%arg0, %dma_start3A_1007, %dma_start3A_1008] : memref<2x10000x64xbf16, #tpu.memory_space<hbm>> -> memref<1x10000x64xbf16, #tpu.memory_space<hbm>>
      %dma_start3A_1010 = tpu.memref_squeeze %dma_start3A_1009 : memref<1x10000x64xbf16, #tpu.memory_space<hbm>> -> memref<10000x64xbf16, #tpu.memory_space<hbm>>
      %dma_start3A_1011 = arith.constant 0 : i32
      %dma_start3A_1012 = arith.constant 0 : i32
      %dma_start3A_1013 = tpu.memref_slice %dma_start3A_1010[%dma_start3A_1011, %dma_start3A_1012] : memref<10000x64xbf16, #tpu.memory_space<hbm>> -> memref<10000x64xbf16, #tpu.memory_space<hbm>>
      %dma_start3A_1014 = tpu.memref_slice %arg10[%dma_start3A_999] : memref<8x!tpu.dma_semaphore, #tpu.memory_space<semaphore_mem>> -> memref<1x!tpu.dma_semaphore, #tpu.memory_space<semaphore_mem>>
      %dma_start3A_1015 = tpu.memref_squeeze %dma_start3A_1014 : memref<1x!tpu.dma_semaphore, #tpu.memory_space<semaphore_mem>> -> memref<!tpu.dma_semaphore, #tpu.memory_space<semaphore_mem>>
      tpu.enqueue_indirect_dma source(%dma_start3A_1013 : memref<10000x64xbf16, #tpu.memory_space<hbm>>) target(%dma_start3A_1003 : memref<100x64xbf16, #tpu.memory_space<vmem>>) offsets(%dma_start3A_1006 : memref<100xi32, #tpu.memory_space<vmem>>) semaphore(%dma_start3A_1015 : memref<!tpu.dma_semaphore, #tpu.memory_space<semaphore_mem>>)
      %mul3A_1016 = arith.constant 8 : i32
      %mul3A_1017 = arith.muli %scan3A_568, %mul3A_1016 : i32
      %add3A_1018 = arith.constant 3 : i32
      %add3A_1019 = arith.addi %mul3A_1017, %add3A_1018 : i32
      %dma_wait3A_1020 = arith.constant 3 : i32
      %dma_wait3A_1021 = arith.constant 3 : i32
      %dma_wait3A_1022 = arith.constant 0 : i32
      %dma_wait3A_1023 = arith.constant 0 : i32
      %dma_wait3A_1024 = tpu.memref_slice %arg7[%dma_wait3A_1020, %dma_wait3A_1022, %dma_wait3A_1023] : memref<8x100x64xbf16, #tpu.memory_space<vmem>> -> memref<1x100x64xbf16, #tpu.memory_space<vmem>>
      %dma_wait3A_1025 = tpu.memref_squeeze %dma_wait3A_1024 : memref<1x100x64xbf16, #tpu.memory_space<vmem>> -> memref<100x64xbf16, #tpu.memory_space<vmem>>
      %dma_wait3A_1026 = arith.constant 0 : i32
      %dma_wait3A_1027 = tpu.memref_slice %arg6[%add3A_1019, %dma_wait3A_1026] : memref<200x100xi32, #tpu.memory_space<vmem>> -> memref<1x100xi32, #tpu.memory_space<vmem>>
      %dma_wait3A_1028 = tpu.memref_squeeze %dma_wait3A_1027 : memref<1x100xi32, #tpu.memory_space<vmem>> -> memref<100xi32, #tpu.memory_space<vmem>>
      %dma_wait3A_1029 = arith.constant 0 : i32
      %dma_wait3A_1030 = arith.constant 0 : i32
      %dma_wait3A_1031 = tpu.memref_slice %arg9[%dma_wait3A_1029, %dma_wait3A_1030] : memref<10240x64xbf16, #tpu.memory_space<vmem_shared>> -> memref<10240x64xbf16, #tpu.memory_space<vmem_shared>>
      %dma_wait3A_1032 = tpu.memref_slice %arg11[%dma_wait3A_1021] : memref<8x!tpu.dma_semaphore, #tpu.memory_space<semaphore_mem>> -> memref<1x!tpu.dma_semaphore, #tpu.memory_space<semaphore_mem>>
      %dma_wait3A_1033 = tpu.memref_squeeze %dma_wait3A_1032 : memref<1x!tpu.dma_semaphore, #tpu.memory_space<semaphore_mem>> -> memref<!tpu.dma_semaphore, #tpu.memory_space<semaphore_mem>>
      tpu.wait_indirect_dma semaphore(%dma_wait3A_1033 : memref<!tpu.dma_semaphore, #tpu.memory_space<semaphore_mem>>) src(%dma_wait3A_1025 : memref<100x64xbf16, #tpu.memory_space<vmem>>) dst(%dma_wait3A_1031 : memref<10240x64xbf16, #tpu.memory_space<vmem_shared>>)
      %add3A_1034 = arith.constant 1 : i32
      %add3A_1035 = arith.addi %scan3A_568, %add3A_1034 : i32
      %mul3A_1036 = arith.constant 8 : i32
      %mul3A_1037 = arith.muli %add3A_1035, %mul3A_1036 : i32
      %add3A_1038 = arith.constant 3 : i32
      %add3A_1039 = arith.addi %mul3A_1037, %add3A_1038 : i32
      %dma_start3A_1040 = arith.constant 3 : i32
      %dma_start3A_1041 = arith.constant 3 : i32
      %dma_start3A_1042 = arith.constant 0 : i32
      %dma_start3A_1043 = arith.constant 0 : i32
      %dma_start3A_1044 = tpu.memref_slice %arg7[%dma_start3A_1040, %dma_start3A_1042, %dma_start3A_1043] : memref<8x100x64xbf16, #tpu.memory_space<vmem>> -> memref<1x100x64xbf16, #tpu.memory_space<vmem>>
      %dma_start3A_1045 = tpu.memref_squeeze %dma_start3A_1044 : memref<1x100x64xbf16, #tpu.memory_space<vmem>> -> memref<100x64xbf16, #tpu.memory_space<vmem>>
      %dma_start3A_1046 = arith.constant 0 : i32
      %dma_start3A_1047 = tpu.memref_slice %arg5[%add3A_1039, %dma_start3A_1046] : memref<200x100xi32, #tpu.memory_space<vmem>> -> memref<1x100xi32, #tpu.memory_space<vmem>>
      %dma_start3A_1048 = tpu.memref_squeeze %dma_start3A_1047 : memref<1x100xi32, #tpu.memory_space<vmem>> -> memref<100xi32, #tpu.memory_space<vmem>>
      %dma_start3A_1049 = arith.constant 0 : i32
      %dma_start3A_1050 = arith.constant 0 : i32
      %dma_start3A_1051 = tpu.memref_slice %arg2[%arg0, %dma_start3A_1049, %dma_start3A_1050] : memref<2x10000x64xbf16, #tpu.memory_space<hbm>> -> memref<1x10000x64xbf16, #tpu.memory_space<hbm>>
      %dma_start3A_1052 = tpu.memref_squeeze %dma_start3A_1051 : memref<1x10000x64xbf16, #tpu.memory_space<hbm>> -> memref<10000x64xbf16, #tpu.memory_space<hbm>>
      %dma_start3A_1053 = arith.constant 0 : i32
      %dma_start3A_1054 = arith.constant 0 : i32
      %dma_start3A_1055 = tpu.memref_slice %dma_start3A_1052[%dma_start3A_1053, %dma_start3A_1054] : memref<10000x64xbf16, #tpu.memory_space<hbm>> -> memref<10000x64xbf16, #tpu.memory_space<hbm>>
      %dma_start3A_1056 = tpu.memref_slice %arg10[%dma_start3A_1041] : memref<8x!tpu.dma_semaphore, #tpu.memory_space<semaphore_mem>> -> memref<1x!tpu.dma_semaphore, #tpu.memory_space<semaphore_mem>>
      %dma_start3A_1057 = tpu.memref_squeeze %dma_start3A_1056 : memref<1x!tpu.dma_semaphore, #tpu.memory_space<semaphore_mem>> -> memref<!tpu.dma_semaphore, #tpu.memory_space<semaphore_mem>>
      tpu.enqueue_indirect_dma source(%dma_start3A_1055 : memref<10000x64xbf16, #tpu.memory_space<hbm>>) target(%dma_start3A_1045 : memref<100x64xbf16, #tpu.memory_space<vmem>>) offsets(%dma_start3A_1048 : memref<100xi32, #tpu.memory_space<vmem>>) semaphore(%dma_start3A_1057 : memref<!tpu.dma_semaphore, #tpu.memory_space<semaphore_mem>>)
      %mul3A_1058 = arith.constant 8 : i32
      %mul3A_1059 = arith.muli %scan3A_568, %mul3A_1058 : i32
      %add3A_1060 = arith.constant 4 : i32
      %add3A_1061 = arith.addi %mul3A_1059, %add3A_1060 : i32
      %dma_wait3A_1062 = arith.constant 4 : i32
      %dma_wait3A_1063 = arith.constant 4 : i32
      %dma_wait3A_1064 = arith.constant 0 : i32
      %dma_wait3A_1065 = arith.constant 0 : i32
      %dma_wait3A_1066 = tpu.memref_slice %arg7[%dma_wait3A_1062, %dma_wait3A_1064, %dma_wait3A_1065] : memref<8x100x64xbf16, #tpu.memory_space<vmem>> -> memref<1x100x64xbf16, #tpu.memory_space<vmem>>
      %dma_wait3A_1067 = tpu.memref_squeeze %dma_wait3A_1066 : memref<1x100x64xbf16, #tpu.memory_space<vmem>> -> memref<100x64xbf16, #tpu.memory_space<vmem>>
      %dma_wait3A_1068 = arith.constant 0 : i32
      %dma_wait3A_1069 = tpu.memref_slice %arg6[%add3A_1061, %dma_wait3A_1068] : memref<200x100xi32, #tpu.memory_space<vmem>> -> memref<1x100xi32, #tpu.memory_space<vmem>>
      %dma_wait3A_1070 = tpu.memref_squeeze %dma_wait3A_1069 : memref<1x100xi32, #tpu.memory_space<vmem>> -> memref<100xi32, #tpu.memory_space<vmem>>
      %dma_wait3A_1071 = arith.constant 0 : i32
      %dma_wait3A_1072 = arith.constant 0 : i32
      %dma_wait3A_1073 = tpu.memref_slice %arg9[%dma_wait3A_1071, %dma_wait3A_1072] : memref<10240x64xbf16, #tpu.memory_space<vmem_shared>> -> memref<10240x64xbf16, #tpu.memory_space<vmem_shared>>
      %dma_wait3A_1074 = tpu.memref_slice %arg11[%dma_wait3A_1063] : memref<8x!tpu.dma_semaphore, #tpu.memory_space<semaphore_mem>> -> memref<1x!tpu.dma_semaphore, #tpu.memory_space<semaphore_mem>>
      %dma_wait3A_1075 = tpu.memref_squeeze %dma_wait3A_1074 : memref<1x!tpu.dma_semaphore, #tpu.memory_space<semaphore_mem>> -> memref<!tpu.dma_semaphore, #tpu.memory_space<semaphore_mem>>
      tpu.wait_indirect_dma semaphore(%dma_wait3A_1075 : memref<!tpu.dma_semaphore, #tpu.memory_space<semaphore_mem>>) src(%dma_wait3A_1067 : memref<100x64xbf16, #tpu.memory_space<vmem>>) dst(%dma_wait3A_1073 : memref<10240x64xbf16, #tpu.memory_space<vmem_shared>>)
      %add3A_1076 = arith.constant 1 : i32
      %add3A_1077 = arith.addi %scan3A_568, %add3A_1076 : i32
      %mul3A_1078 = arith.constant 8 : i32
      %mul3A_1079 = arith.muli %add3A_1077, %mul3A_1078 : i32
      %add3A_1080 = arith.constant 4 : i32
      %add3A_1081 = arith.addi %mul3A_1079, %add3A_1080 : i32
      %dma_start3A_1082 = arith.constant 4 : i32
      %dma_start3A_1083 = arith.constant 4 : i32
      %dma_start3A_1084 = arith.constant 0 : i32
      %dma_start3A_1085 = arith.constant 0 : i32
      %dma_start3A_1086 = tpu.memref_slice %arg7[%dma_start3A_1082, %dma_start3A_1084, %dma_start3A_1085] : memref<8x100x64xbf16, #tpu.memory_space<vmem>> -> memref<1x100x64xbf16, #tpu.memory_space<vmem>>
      %dma_start3A_1087 = tpu.memref_squeeze %dma_start3A_1086 : memref<1x100x64xbf16, #tpu.memory_space<vmem>> -> memref<100x64xbf16, #tpu.memory_space<vmem>>
      %dma_start3A_1088 = arith.constant 0 : i32
      %dma_start3A_1089 = tpu.memref_slice %arg5[%add3A_1081, %dma_start3A_1088] : memref<200x100xi32, #tpu.memory_space<vmem>> -> memref<1x100xi32, #tpu.memory_space<vmem>>
      %dma_start3A_1090 = tpu.memref_squeeze %dma_start3A_1089 : memref<1x100xi32, #tpu.memory_space<vmem>> -> memref<100xi32, #tpu.memory_space<vmem>>
      %dma_start3A_1091 = arith.constant 0 : i32
      %dma_start3A_1092 = arith.constant 0 : i32
      %dma_start3A_1093 = tpu.memref_slice %arg2[%arg0, %dma_start3A_1091, %dma_start3A_1092] : memref<2x10000x64xbf16, #tpu.memory_space<hbm>> -> memref<1x10000x64xbf16, #tpu.memory_space<hbm>>
      %dma_start3A_1094 = tpu.memref_squeeze %dma_start3A_1093 : memref<1x10000x64xbf16, #tpu.memory_space<hbm>> -> memref<10000x64xbf16, #tpu.memory_space<hbm>>
      %dma_start3A_1095 = arith.constant 0 : i32
      %dma_start3A_1096 = arith.constant 0 : i32
      %dma_start3A_1097 = tpu.memref_slice %dma_start3A_1094[%dma_start3A_1095, %dma_start3A_1096] : memref<10000x64xbf16, #tpu.memory_space<hbm>> -> memref<10000x64xbf16, #tpu.memory_space<hbm>>
      %dma_start3A_1098 = tpu.memref_slice %arg10[%dma_start3A_1083] : memref<8x!tpu.dma_semaphore, #tpu.memory_space<semaphore_mem>> -> memref<1x!tpu.dma_semaphore, #tpu.memory_space<semaphore_mem>>
      %dma_start3A_1099 = tpu.memref_squeeze %dma_start3A_1098 : memref<1x!tpu.dma_semaphore, #tpu.memory_space<semaphore_mem>> -> memref<!tpu.dma_semaphore, #tpu.memory_space<semaphore_mem>>
      tpu.enqueue_indirect_dma source(%dma_start3A_1097 : memref<10000x64xbf16, #tpu.memory_space<hbm>>) target(%dma_start3A_1087 : memref<100x64xbf16, #tpu.memory_space<vmem>>) offsets(%dma_start3A_1090 : memref<100xi32, #tpu.memory_space<vmem>>) semaphore(%dma_start3A_1099 : memref<!tpu.dma_semaphore, #tpu.memory_space<semaphore_mem>>)
      %mul3A_1100 = arith.constant 8 : i32
      %mul3A_1101 = arith.muli %scan3A_568, %mul3A_1100 : i32
      %add3A_1102 = arith.constant 5 : i32
      %add3A_1103 = arith.addi %mul3A_1101, %add3A_1102 : i32
      %dma_wait3A_1104 = arith.constant 5 : i32
      %dma_wait3A_1105 = arith.constant 5 : i32
      %dma_wait3A_1106 = arith.constant 0 : i32
      %dma_wait3A_1107 = arith.constant 0 : i32
      %dma_wait3A_1108 = tpu.memref_slice %arg7[%dma_wait3A_1104, %dma_wait3A_1106, %dma_wait3A_1107] : memref<8x100x64xbf16, #tpu.memory_space<vmem>> -> memref<1x100x64xbf16, #tpu.memory_space<vmem>>
      %dma_wait3A_1109 = tpu.memref_squeeze %dma_wait3A_1108 : memref<1x100x64xbf16, #tpu.memory_space<vmem>> -> memref<100x64xbf16, #tpu.memory_space<vmem>>
      %dma_wait3A_1110 = arith.constant 0 : i32
      %dma_wait3A_1111 = tpu.memref_slice %arg6[%add3A_1103, %dma_wait3A_1110] : memref<200x100xi32, #tpu.memory_space<vmem>> -> memref<1x100xi32, #tpu.memory_space<vmem>>
      %dma_wait3A_1112 = tpu.memref_squeeze %dma_wait3A_1111 : memref<1x100xi32, #tpu.memory_space<vmem>> -> memref<100xi32, #tpu.memory_space<vmem>>
      %dma_wait3A_1113 = arith.constant 0 : i32
      %dma_wait3A_1114 = arith.constant 0 : i32
      %dma_wait3A_1115 = tpu.memref_slice %arg9[%dma_wait3A_1113, %dma_wait3A_1114] : memref<10240x64xbf16, #tpu.memory_space<vmem_shared>> -> memref<10240x64xbf16, #tpu.memory_space<vmem_shared>>
      %dma_wait3A_1116 = tpu.memref_slice %arg11[%dma_wait3A_1105] : memref<8x!tpu.dma_semaphore, #tpu.memory_space<semaphore_mem>> -> memref<1x!tpu.dma_semaphore, #tpu.memory_space<semaphore_mem>>
      %dma_wait3A_1117 = tpu.memref_squeeze %dma_wait3A_1116 : memref<1x!tpu.dma_semaphore, #tpu.memory_space<semaphore_mem>> -> memref<!tpu.dma_semaphore, #tpu.memory_space<semaphore_mem>>
      tpu.wait_indirect_dma semaphore(%dma_wait3A_1117 : memref<!tpu.dma_semaphore, #tpu.memory_space<semaphore_mem>>) src(%dma_wait3A_1109 : memref<100x64xbf16, #tpu.memory_space<vmem>>) dst(%dma_wait3A_1115 : memref<10240x64xbf16, #tpu.memory_space<vmem_shared>>)
      %add3A_1118 = arith.constant 1 : i32
      %add3A_1119 = arith.addi %scan3A_568, %add3A_1118 : i32
      %mul3A_1120 = arith.constant 8 : i32
      %mul3A_1121 = arith.muli %add3A_1119, %mul3A_1120 : i32
      %add3A_1122 = arith.constant 5 : i32
      %add3A_1123 = arith.addi %mul3A_1121, %add3A_1122 : i32
      %dma_start3A_1124 = arith.constant 5 : i32
      %dma_start3A_1125 = arith.constant 5 : i32
      %dma_start3A_1126 = arith.constant 0 : i32
      %dma_start3A_1127 = arith.constant 0 : i32
      %dma_start3A_1128 = tpu.memref_slice %arg7[%dma_start3A_1124, %dma_start3A_1126, %dma_start3A_1127] : memref<8x100x64xbf16, #tpu.memory_space<vmem>> -> memref<1x100x64xbf16, #tpu.memory_space<vmem>>
      %dma_start3A_1129 = tpu.memref_squeeze %dma_start3A_1128 : memref<1x100x64xbf16, #tpu.memory_space<vmem>> -> memref<100x64xbf16, #tpu.memory_space<vmem>>
      %dma_start3A_1130 = arith.constant 0 : i32
      %dma_start3A_1131 = tpu.memref_slice %arg5[%add3A_1123, %dma_start3A_1130] : memref<200x100xi32, #tpu.memory_space<vmem>> -> memref<1x100xi32, #tpu.memory_space<vmem>>
      %dma_start3A_1132 = tpu.memref_squeeze %dma_start3A_1131 : memref<1x100xi32, #tpu.memory_space<vmem>> -> memref<100xi32, #tpu.memory_space<vmem>>
      %dma_start3A_1133 = arith.constant 0 : i32
      %dma_start3A_1134 = arith.constant 0 : i32
      %dma_start3A_1135 = tpu.memref_slice %arg2[%arg0, %dma_start3A_1133, %dma_start3A_1134] : memref<2x10000x64xbf16, #tpu.memory_space<hbm>> -> memref<1x10000x64xbf16, #tpu.memory_space<hbm>>
      %dma_start3A_1136 = tpu.memref_squeeze %dma_start3A_1135 : memref<1x10000x64xbf16, #tpu.memory_space<hbm>> -> memref<10000x64xbf16, #tpu.memory_space<hbm>>
      %dma_start3A_1137 = arith.constant 0 : i32
      %dma_start3A_1138 = arith.constant 0 : i32
      %dma_start3A_1139 = tpu.memref_slice %dma_start3A_1136[%dma_start3A_1137, %dma_start3A_1138] : memref<10000x64xbf16, #tpu.memory_space<hbm>> -> memref<10000x64xbf16, #tpu.memory_space<hbm>>
      %dma_start3A_1140 = tpu.memref_slice %arg10[%dma_start3A_1125] : memref<8x!tpu.dma_semaphore, #tpu.memory_space<semaphore_mem>> -> memref<1x!tpu.dma_semaphore, #tpu.memory_space<semaphore_mem>>
      %dma_start3A_1141 = tpu.memref_squeeze %dma_start3A_1140 : memref<1x!tpu.dma_semaphore, #tpu.memory_space<semaphore_mem>> -> memref<!tpu.dma_semaphore, #tpu.memory_space<semaphore_mem>>
      tpu.enqueue_indirect_dma source(%dma_start3A_1139 : memref<10000x64xbf16, #tpu.memory_space<hbm>>) target(%dma_start3A_1129 : memref<100x64xbf16, #tpu.memory_space<vmem>>) offsets(%dma_start3A_1132 : memref<100xi32, #tpu.memory_space<vmem>>) semaphore(%dma_start3A_1141 : memref<!tpu.dma_semaphore, #tpu.memory_space<semaphore_mem>>)
      %mul3A_1142 = arith.constant 8 : i32
      %mul3A_1143 = arith.muli %scan3A_568, %mul3A_1142 : i32
      %add3A_1144 = arith.constant 6 : i32
      %add3A_1145 = arith.addi %mul3A_1143, %add3A_1144 : i32
      %dma_wait3A_1146 = arith.constant 6 : i32
      %dma_wait3A_1147 = arith.constant 6 : i32
      %dma_wait3A_1148 = arith.constant 0 : i32
      %dma_wait3A_1149 = arith.constant 0 : i32
      %dma_wait3A_1150 = tpu.memref_slice %arg7[%dma_wait3A_1146, %dma_wait3A_1148, %dma_wait3A_1149] : memref<8x100x64xbf16, #tpu.memory_space<vmem>> -> memref<1x100x64xbf16, #tpu.memory_space<vmem>>
      %dma_wait3A_1151 = tpu.memref_squeeze %dma_wait3A_1150 : memref<1x100x64xbf16, #tpu.memory_space<vmem>> -> memref<100x64xbf16, #tpu.memory_space<vmem>>
      %dma_wait3A_1152 = arith.constant 0 : i32
      %dma_wait3A_1153 = tpu.memref_slice %arg6[%add3A_1145, %dma_wait3A_1152] : memref<200x100xi32, #tpu.memory_space<vmem>> -> memref<1x100xi32, #tpu.memory_space<vmem>>
      %dma_wait3A_1154 = tpu.memref_squeeze %dma_wait3A_1153 : memref<1x100xi32, #tpu.memory_space<vmem>> -> memref<100xi32, #tpu.memory_space<vmem>>
      %dma_wait3A_1155 = arith.constant 0 : i32
      %dma_wait3A_1156 = arith.constant 0 : i32
      %dma_wait3A_1157 = tpu.memref_slice %arg9[%dma_wait3A_1155, %dma_wait3A_1156] : memref<10240x64xbf16, #tpu.memory_space<vmem_shared>> -> memref<10240x64xbf16, #tpu.memory_space<vmem_shared>>
      %dma_wait3A_1158 = tpu.memref_slice %arg11[%dma_wait3A_1147] : memref<8x!tpu.dma_semaphore, #tpu.memory_space<semaphore_mem>> -> memref<1x!tpu.dma_semaphore, #tpu.memory_space<semaphore_mem>>
      %dma_wait3A_1159 = tpu.memref_squeeze %dma_wait3A_1158 : memref<1x!tpu.dma_semaphore, #tpu.memory_space<semaphore_mem>> -> memref<!tpu.dma_semaphore, #tpu.memory_space<semaphore_mem>>
      tpu.wait_indirect_dma semaphore(%dma_wait3A_1159 : memref<!tpu.dma_semaphore, #tpu.memory_space<semaphore_mem>>) src(%dma_wait3A_1151 : memref<100x64xbf16, #tpu.memory_space<vmem>>) dst(%dma_wait3A_1157 : memref<10240x64xbf16, #tpu.memory_space<vmem_shared>>)
      %add3A_1160 = arith.constant 1 : i32
      %add3A_1161 = arith.addi %scan3A_568, %add3A_1160 : i32
      %mul3A_1162 = arith.constant 8 : i32
      %mul3A_1163 = arith.muli %add3A_1161, %mul3A_1162 : i32
      %add3A_1164 = arith.constant 6 : i32
      %add3A_1165 = arith.addi %mul3A_1163, %add3A_1164 : i32
      %dma_start3A_1166 = arith.constant 6 : i32
      %dma_start3A_1167 = arith.constant 6 : i32
      %dma_start3A_1168 = arith.constant 0 : i32
      %dma_start3A_1169 = arith.constant 0 : i32
      %dma_start3A_1170 = tpu.memref_slice %arg7[%dma_start3A_1166, %dma_start3A_1168, %dma_start3A_1169] : memref<8x100x64xbf16, #tpu.memory_space<vmem>> -> memref<1x100x64xbf16, #tpu.memory_space<vmem>>
      %dma_start3A_1171 = tpu.memref_squeeze %dma_start3A_1170 : memref<1x100x64xbf16, #tpu.memory_space<vmem>> -> memref<100x64xbf16, #tpu.memory_space<vmem>>
      %dma_start3A_1172 = arith.constant 0 : i32
      %dma_start3A_1173 = tpu.memref_slice %arg5[%add3A_1165, %dma_start3A_1172] : memref<200x100xi32, #tpu.memory_space<vmem>> -> memref<1x100xi32, #tpu.memory_space<vmem>>
      %dma_start3A_1174 = tpu.memref_squeeze %dma_start3A_1173 : memref<1x100xi32, #tpu.memory_space<vmem>> -> memref<100xi32, #tpu.memory_space<vmem>>
      %dma_start3A_1175 = arith.constant 0 : i32
      %dma_start3A_1176 = arith.constant 0 : i32
      %dma_start3A_1177 = tpu.memref_slice %arg2[%arg0, %dma_start3A_1175, %dma_start3A_1176] : memref<2x10000x64xbf16, #tpu.memory_space<hbm>> -> memref<1x10000x64xbf16, #tpu.memory_space<hbm>>
      %dma_start3A_1178 = tpu.memref_squeeze %dma_start3A_1177 : memref<1x10000x64xbf16, #tpu.memory_space<hbm>> -> memref<10000x64xbf16, #tpu.memory_space<hbm>>
      %dma_start3A_1179 = arith.constant 0 : i32
      %dma_start3A_1180 = arith.constant 0 : i32
      %dma_start3A_1181 = tpu.memref_slice %dma_start3A_1178[%dma_start3A_1179, %dma_start3A_1180] : memref<10000x64xbf16, #tpu.memory_space<hbm>> -> memref<10000x64xbf16, #tpu.memory_space<hbm>>
      %dma_start3A_1182 = tpu.memref_slice %arg10[%dma_start3A_1167] : memref<8x!tpu.dma_semaphore, #tpu.memory_space<semaphore_mem>> -> memref<1x!tpu.dma_semaphore, #tpu.memory_space<semaphore_mem>>
      %dma_start3A_1183 = tpu.memref_squeeze %dma_start3A_1182 : memref<1x!tpu.dma_semaphore, #tpu.memory_space<semaphore_mem>> -> memref<!tpu.dma_semaphore, #tpu.memory_space<semaphore_mem>>
      tpu.enqueue_indirect_dma source(%dma_start3A_1181 : memref<10000x64xbf16, #tpu.memory_space<hbm>>) target(%dma_start3A_1171 : memref<100x64xbf16, #tpu.memory_space<vmem>>) offsets(%dma_start3A_1174 : memref<100xi32, #tpu.memory_space<vmem>>) semaphore(%dma_start3A_1183 : memref<!tpu.dma_semaphore, #tpu.memory_space<semaphore_mem>>)
      %mul3A_1184 = arith.constant 8 : i32
      %mul3A_1185 = arith.muli %scan3A_568, %mul3A_1184 : i32
      %add3A_1186 = arith.constant 7 : i32
      %add3A_1187 = arith.addi %mul3A_1185, %add3A_1186 : i32
      %dma_wait3A_1188 = arith.constant 7 : i32
      %dma_wait3A_1189 = arith.constant 7 : i32
      %dma_wait3A_1190 = arith.constant 0 : i32
      %dma_wait3A_1191 = arith.constant 0 : i32
      %dma_wait3A_1192 = tpu.memref_slice %arg7[%dma_wait3A_1188, %dma_wait3A_1190, %dma_wait3A_1191] : memref<8x100x64xbf16, #tpu.memory_space<vmem>> -> memref<1x100x64xbf16, #tpu.memory_space<vmem>>
      %dma_wait3A_1193 = tpu.memref_squeeze %dma_wait3A_1192 : memref<1x100x64xbf16, #tpu.memory_space<vmem>> -> memref<100x64xbf16, #tpu.memory_space<vmem>>
      %dma_wait3A_1194 = arith.constant 0 : i32
      %dma_wait3A_1195 = tpu.memref_slice %arg6[%add3A_1187, %dma_wait3A_1194] : memref<200x100xi32, #tpu.memory_space<vmem>> -> memref<1x100xi32, #tpu.memory_space<vmem>>
      %dma_wait3A_1196 = tpu.memref_squeeze %dma_wait3A_1195 : memref<1x100xi32, #tpu.memory_space<vmem>> -> memref<100xi32, #tpu.memory_space<vmem>>
      %dma_wait3A_1197 = arith.constant 0 : i32
      %dma_wait3A_1198 = arith.constant 0 : i32
      %dma_wait3A_1199 = tpu.memref_slice %arg9[%dma_wait3A_1197, %dma_wait3A_1198] : memref<10240x64xbf16, #tpu.memory_space<vmem_shared>> -> memref<10240x64xbf16, #tpu.memory_space<vmem_shared>>
      %dma_wait3A_1200 = tpu.memref_slice %arg11[%dma_wait3A_1189] : memref<8x!tpu.dma_semaphore, #tpu.memory_space<semaphore_mem>> -> memref<1x!tpu.dma_semaphore, #tpu.memory_space<semaphore_mem>>
      %dma_wait3A_1201 = tpu.memref_squeeze %dma_wait3A_1200 : memref<1x!tpu.dma_semaphore, #tpu.memory_space<semaphore_mem>> -> memref<!tpu.dma_semaphore, #tpu.memory_space<semaphore_mem>>
      tpu.wait_indirect_dma semaphore(%dma_wait3A_1201 : memref<!tpu.dma_semaphore, #tpu.memory_space<semaphore_mem>>) src(%dma_wait3A_1193 : memref<100x64xbf16, #tpu.memory_space<vmem>>) dst(%dma_wait3A_1199 : memref<10240x64xbf16, #tpu.memory_space<vmem_shared>>)
      %add3A_1202 = arith.constant 1 : i32
      %add3A_1203 = arith.addi %scan3A_568, %add3A_1202 : i32
      %mul3A_1204 = arith.constant 8 : i32
      %mul3A_1205 = arith.muli %add3A_1203, %mul3A_1204 : i32
      %add3A_1206 = arith.constant 7 : i32
      %add3A_1207 = arith.addi %mul3A_1205, %add3A_1206 : i32
      %dma_start3A_1208 = arith.constant 7 : i32
      %dma_start3A_1209 = arith.constant 7 : i32
      %dma_start3A_1210 = arith.constant 0 : i32
      %dma_start3A_1211 = arith.constant 0 : i32
      %dma_start3A_1212 = tpu.memref_slice %arg7[%dma_start3A_1208, %dma_start3A_1210, %dma_start3A_1211] : memref<8x100x64xbf16, #tpu.memory_space<vmem>> -> memref<1x100x64xbf16, #tpu.memory_space<vmem>>
      %dma_start3A_1213 = tpu.memref_squeeze %dma_start3A_1212 : memref<1x100x64xbf16, #tpu.memory_space<vmem>> -> memref<100x64xbf16, #tpu.memory_space<vmem>>
      %dma_start3A_1214 = arith.constant 0 : i32
      %dma_start3A_1215 = tpu.memref_slice %arg5[%add3A_1207, %dma_start3A_1214] : memref<200x100xi32, #tpu.memory_space<vmem>> -> memref<1x100xi32, #tpu.memory_space<vmem>>
      %dma_start3A_1216 = tpu.memref_squeeze %dma_start3A_1215 : memref<1x100xi32, #tpu.memory_space<vmem>> -> memref<100xi32, #tpu.memory_space<vmem>>
      %dma_start3A_1217 = arith.constant 0 : i32
      %dma_start3A_1218 = arith.constant 0 : i32
      %dma_start3A_1219 = tpu.memref_slice %arg2[%arg0, %dma_start3A_1217, %dma_start3A_1218] : memref<2x10000x64xbf16, #tpu.memory_space<hbm>> -> memref<1x10000x64xbf16, #tpu.memory_space<hbm>>
      %dma_start3A_1220 = tpu.memref_squeeze %dma_start3A_1219 : memref<1x10000x64xbf16, #tpu.memory_space<hbm>> -> memref<10000x64xbf16, #tpu.memory_space<hbm>>
      %dma_start3A_1221 = arith.constant 0 : i32
      %dma_start3A_1222 = arith.constant 0 : i32
      %dma_start3A_1223 = tpu.memref_slice %dma_start3A_1220[%dma_start3A_1221, %dma_start3A_1222] : memref<10000x64xbf16, #tpu.memory_space<hbm>> -> memref<10000x64xbf16, #tpu.memory_space<hbm>>
      %dma_start3A_1224 = tpu.memref_slice %arg10[%dma_start3A_1209] : memref<8x!tpu.dma_semaphore, #tpu.memory_space<semaphore_mem>> -> memref<1x!tpu.dma_semaphore, #tpu.memory_space<semaphore_mem>>
      %dma_start3A_1225 = tpu.memref_squeeze %dma_start3A_1224 : memref<1x!tpu.dma_semaphore, #tpu.memory_space<semaphore_mem>> -> memref<!tpu.dma_semaphore, #tpu.memory_space<semaphore_mem>>
      tpu.enqueue_indirect_dma source(%dma_start3A_1223 : memref<10000x64xbf16, #tpu.memory_space<hbm>>) target(%dma_start3A_1213 : memref<100x64xbf16, #tpu.memory_space<vmem>>) offsets(%dma_start3A_1216 : memref<100xi32, #tpu.memory_space<vmem>>) semaphore(%dma_start3A_1225 : memref<!tpu.dma_semaphore, #tpu.memory_space<semaphore_mem>>)
      %scan3A_1226 = arith.constant 0 : i32
      scf.yield %scan3A_1226 : i32
    }
    %scan3A_172 = arith.constant 24 : i32
    %dma_wait3A = arith.constant 192 : i32
    %dma_wait3A_173 = arith.constant 0 : i32
    %dma_wait3A_174 = arith.constant 0 : i32
    %dma_wait3A_175 = arith.constant 0 : i32
    %dma_wait3A_176 = arith.constant 0 : i32
    %dma_wait3A_177 = tpu.memref_slice %arg7[%dma_wait3A_173, %dma_wait3A_175, %dma_wait3A_176] : memref<8x100x64xbf16, #tpu.memory_space<vmem>> -> memref<1x100x64xbf16, #tpu.memory_space<vmem>>
    %dma_wait3A_178 = tpu.memref_squeeze %dma_wait3A_177 : memref<1x100x64xbf16, #tpu.memory_space<vmem>> -> memref<100x64xbf16, #tpu.memory_space<vmem>>
    %dma_wait3A_179 = arith.constant 0 : i32
    %dma_wait3A_180 = tpu.memref_slice %arg5[%dma_wait3A, %dma_wait3A_179] : memref<200x100xi32, #tpu.memory_space<vmem>> -> memref<1x100xi32, #tpu.memory_space<vmem>>
    %dma_wait3A_181 = tpu.memref_squeeze %dma_wait3A_180 : memref<1x100xi32, #tpu.memory_space<vmem>> -> memref<100xi32, #tpu.memory_space<vmem>>
    %dma_wait3A_182 = arith.constant 0 : i32
    %dma_wait3A_183 = arith.constant 0 : i32
    %dma_wait3A_184 = tpu.memref_slice %arg2[%arg0, %dma_wait3A_182, %dma_wait3A_183] : memref<2x10000x64xbf16, #tpu.memory_space<hbm>> -> memref<1x10000x64xbf16, #tpu.memory_space<hbm>>
    %dma_wait3A_185 = tpu.memref_squeeze %dma_wait3A_184 : memref<1x10000x64xbf16, #tpu.memory_space<hbm>> -> memref<10000x64xbf16, #tpu.memory_space<hbm>>
    %dma_wait3A_186 = arith.constant 0 : i32
    %dma_wait3A_187 = arith.constant 0 : i32
    %dma_wait3A_188 = tpu.memref_slice %dma_wait3A_185[%dma_wait3A_186, %dma_wait3A_187] : memref<10000x64xbf16, #tpu.memory_space<hbm>> -> memref<10000x64xbf16, #tpu.memory_space<hbm>>
    %dma_wait3A_189 = tpu.memref_slice %arg10[%dma_wait3A_174] : memref<8x!tpu.dma_semaphore, #tpu.memory_space<semaphore_mem>> -> memref<1x!tpu.dma_semaphore, #tpu.memory_space<semaphore_mem>>
    %dma_wait3A_190 = tpu.memref_squeeze %dma_wait3A_189 : memref<1x!tpu.dma_semaphore, #tpu.memory_space<semaphore_mem>> -> memref<!tpu.dma_semaphore, #tpu.memory_space<semaphore_mem>>
    tpu.wait_indirect_dma semaphore(%dma_wait3A_190 : memref<!tpu.dma_semaphore, #tpu.memory_space<semaphore_mem>>) src(%dma_wait3A_188 : memref<10000x64xbf16, #tpu.memory_space<hbm>>) dst(%dma_wait3A_178 : memref<100x64xbf16, #tpu.memory_space<vmem>>)
    %dma_start3A_191 = arith.constant 0 : i32
    %dma_start3A_192 = arith.constant 192 : i32
    %dma_start3A_193 = arith.constant 0 : i32
    %dma_start3A_194 = arith.constant 0 : i32
    %dma_start3A_195 = arith.constant 0 : i32
    %dma_start3A_196 = tpu.memref_slice %arg7[%dma_start3A_191, %dma_start3A_194, %dma_start3A_195] : memref<8x100x64xbf16, #tpu.memory_space<vmem>> -> memref<1x100x64xbf16, #tpu.memory_space<vmem>>
    %dma_start3A_197 = tpu.memref_squeeze %dma_start3A_196 : memref<1x100x64xbf16, #tpu.memory_space<vmem>> -> memref<100x64xbf16, #tpu.memory_space<vmem>>
    %dma_start3A_198 = arith.constant 0 : i32
    %dma_start3A_199 = tpu.memref_slice %arg6[%dma_start3A_192, %dma_start3A_198] : memref<200x100xi32, #tpu.memory_space<vmem>> -> memref<1x100xi32, #tpu.memory_space<vmem>>
    %dma_start3A_200 = tpu.memref_squeeze %dma_start3A_199 : memref<1x100xi32, #tpu.memory_space<vmem>> -> memref<100xi32, #tpu.memory_space<vmem>>
    %dma_start3A_201 = arith.constant 0 : i32
    %dma_start3A_202 = arith.constant 0 : i32
    %dma_start3A_203 = tpu.memref_slice %arg9[%dma_start3A_201, %dma_start3A_202] : memref<10240x64xbf16, #tpu.memory_space<vmem_shared>> -> memref<10240x64xbf16, #tpu.memory_space<vmem_shared>>
    %dma_start3A_204 = tpu.memref_slice %arg11[%dma_start3A_193] : memref<8x!tpu.dma_semaphore, #tpu.memory_space<semaphore_mem>> -> memref<1x!tpu.dma_semaphore, #tpu.memory_space<semaphore_mem>>
    %dma_start3A_205 = tpu.memref_squeeze %dma_start3A_204 : memref<1x!tpu.dma_semaphore, #tpu.memory_space<semaphore_mem>> -> memref<!tpu.dma_semaphore, #tpu.memory_space<semaphore_mem>>
    tpu.enqueue_indirect_dma source(%dma_start3A_197 : memref<100x64xbf16, #tpu.memory_space<vmem>>) target(%dma_start3A_203 : memref<10240x64xbf16, #tpu.memory_space<vmem_shared>>) offsets(%dma_start3A_200 : memref<100xi32, #tpu.memory_space<vmem>>) semaphore(%dma_start3A_205 : memref<!tpu.dma_semaphore, #tpu.memory_space<semaphore_mem>>) {add = true}
    %dma_wait3A_206 = arith.constant 193 : i32
    %dma_wait3A_207 = arith.constant 1 : i32
    %dma_wait3A_208 = arith.constant 1 : i32
    %dma_wait3A_209 = arith.constant 0 : i32
    %dma_wait3A_210 = arith.constant 0 : i32
    %dma_wait3A_211 = tpu.memref_slice %arg7[%dma_wait3A_207, %dma_wait3A_209, %dma_wait3A_210] : memref<8x100x64xbf16, #tpu.memory_space<vmem>> -> memref<1x100x64xbf16, #tpu.memory_space<vmem>>
    %dma_wait3A_212 = tpu.memref_squeeze %dma_wait3A_211 : memref<1x100x64xbf16, #tpu.memory_space<vmem>> -> memref<100x64xbf16, #tpu.memory_space<vmem>>
    %dma_wait3A_213 = arith.constant 0 : i32
    %dma_wait3A_214 = tpu.memref_slice %arg5[%dma_wait3A_206, %dma_wait3A_213] : memref<200x100xi32, #tpu.memory_space<vmem>> -> memref<1x100xi32, #tpu.memory_space<vmem>>
    %dma_wait3A_215 = tpu.memref_squeeze %dma_wait3A_214 : memref<1x100xi32, #tpu.memory_space<vmem>> -> memref<100xi32, #tpu.memory_space<vmem>>
    %dma_wait3A_216 = arith.constant 0 : i32
    %dma_wait3A_217 = arith.constant 0 : i32
    %dma_wait3A_218 = tpu.memref_slice %arg2[%arg0, %dma_wait3A_216, %dma_wait3A_217] : memref<2x10000x64xbf16, #tpu.memory_space<hbm>> -> memref<1x10000x64xbf16, #tpu.memory_space<hbm>>
    %dma_wait3A_219 = tpu.memref_squeeze %dma_wait3A_218 : memref<1x10000x64xbf16, #tpu.memory_space<hbm>> -> memref<10000x64xbf16, #tpu.memory_space<hbm>>
    %dma_wait3A_220 = arith.constant 0 : i32
    %dma_wait3A_221 = arith.constant 0 : i32
    %dma_wait3A_222 = tpu.memref_slice %dma_wait3A_219[%dma_wait3A_220, %dma_wait3A_221] : memref<10000x64xbf16, #tpu.memory_space<hbm>> -> memref<10000x64xbf16, #tpu.memory_space<hbm>>
    %dma_wait3A_223 = tpu.memref_slice %arg10[%dma_wait3A_208] : memref<8x!tpu.dma_semaphore, #tpu.memory_space<semaphore_mem>> -> memref<1x!tpu.dma_semaphore, #tpu.memory_space<semaphore_mem>>
    %dma_wait3A_224 = tpu.memref_squeeze %dma_wait3A_223 : memref<1x!tpu.dma_semaphore, #tpu.memory_space<semaphore_mem>> -> memref<!tpu.dma_semaphore, #tpu.memory_space<semaphore_mem>>
    tpu.wait_indirect_dma semaphore(%dma_wait3A_224 : memref<!tpu.dma_semaphore, #tpu.memory_space<semaphore_mem>>) src(%dma_wait3A_222 : memref<10000x64xbf16, #tpu.memory_space<hbm>>) dst(%dma_wait3A_212 : memref<100x64xbf16, #tpu.memory_space<vmem>>)
    %dma_start3A_225 = arith.constant 1 : i32
    %dma_start3A_226 = arith.constant 193 : i32
    %dma_start3A_227 = arith.constant 1 : i32
    %dma_start3A_228 = arith.constant 0 : i32
    %dma_start3A_229 = arith.constant 0 : i32
    %dma_start3A_230 = tpu.memref_slice %arg7[%dma_start3A_225, %dma_start3A_228, %dma_start3A_229] : memref<8x100x64xbf16, #tpu.memory_space<vmem>> -> memref<1x100x64xbf16, #tpu.memory_space<vmem>>
    %dma_start3A_231 = tpu.memref_squeeze %dma_start3A_230 : memref<1x100x64xbf16, #tpu.memory_space<vmem>> -> memref<100x64xbf16, #tpu.memory_space<vmem>>
    %dma_start3A_232 = arith.constant 0 : i32
    %dma_start3A_233 = tpu.memref_slice %arg6[%dma_start3A_226, %dma_start3A_232] : memref<200x100xi32, #tpu.memory_space<vmem>> -> memref<1x100xi32, #tpu.memory_space<vmem>>
    %dma_start3A_234 = tpu.memref_squeeze %dma_start3A_233 : memref<1x100xi32, #tpu.memory_space<vmem>> -> memref<100xi32, #tpu.memory_space<vmem>>
    %dma_start3A_235 = arith.constant 0 : i32
    %dma_start3A_236 = arith.constant 0 : i32
    %dma_start3A_237 = tpu.memref_slice %arg9[%dma_start3A_235, %dma_start3A_236] : memref<10240x64xbf16, #tpu.memory_space<vmem_shared>> -> memref<10240x64xbf16, #tpu.memory_space<vmem_shared>>
    %dma_start3A_238 = tpu.memref_slice %arg11[%dma_start3A_227] : memref<8x!tpu.dma_semaphore, #tpu.memory_space<semaphore_mem>> -> memref<1x!tpu.dma_semaphore, #tpu.memory_space<semaphore_mem>>
    %dma_start3A_239 = tpu.memref_squeeze %dma_start3A_238 : memref<1x!tpu.dma_semaphore, #tpu.memory_space<semaphore_mem>> -> memref<!tpu.dma_semaphore, #tpu.memory_space<semaphore_mem>>
    tpu.enqueue_indirect_dma source(%dma_start3A_231 : memref<100x64xbf16, #tpu.memory_space<vmem>>) target(%dma_start3A_237 : memref<10240x64xbf16, #tpu.memory_space<vmem_shared>>) offsets(%dma_start3A_234 : memref<100xi32, #tpu.memory_space<vmem>>) semaphore(%dma_start3A_239 : memref<!tpu.dma_semaphore, #tpu.memory_space<semaphore_mem>>) {add = true}
    %dma_wait3A_240 = arith.constant 194 : i32
    %dma_wait3A_241 = arith.constant 2 : i32
    %dma_wait3A_242 = arith.constant 2 : i32
    %dma_wait3A_243 = arith.constant 0 : i32
    %dma_wait3A_244 = arith.constant 0 : i32
    %dma_wait3A_245 = tpu.memref_slice %arg7[%dma_wait3A_241, %dma_wait3A_243, %dma_wait3A_244] : memref<8x100x64xbf16, #tpu.memory_space<vmem>> -> memref<1x100x64xbf16, #tpu.memory_space<vmem>>
    %dma_wait3A_246 = tpu.memref_squeeze %dma_wait3A_245 : memref<1x100x64xbf16, #tpu.memory_space<vmem>> -> memref<100x64xbf16, #tpu.memory_space<vmem>>
    %dma_wait3A_247 = arith.constant 0 : i32
    %dma_wait3A_248 = tpu.memref_slice %arg5[%dma_wait3A_240, %dma_wait3A_247] : memref<200x100xi32, #tpu.memory_space<vmem>> -> memref<1x100xi32, #tpu.memory_space<vmem>>
    %dma_wait3A_249 = tpu.memref_squeeze %dma_wait3A_248 : memref<1x100xi32, #tpu.memory_space<vmem>> -> memref<100xi32, #tpu.memory_space<vmem>>
    %dma_wait3A_250 = arith.constant 0 : i32
    %dma_wait3A_251 = arith.constant 0 : i32
    %dma_wait3A_252 = tpu.memref_slice %arg2[%arg0, %dma_wait3A_250, %dma_wait3A_251] : memref<2x10000x64xbf16, #tpu.memory_space<hbm>> -> memref<1x10000x64xbf16, #tpu.memory_space<hbm>>
    %dma_wait3A_253 = tpu.memref_squeeze %dma_wait3A_252 : memref<1x10000x64xbf16, #tpu.memory_space<hbm>> -> memref<10000x64xbf16, #tpu.memory_space<hbm>>
    %dma_wait3A_254 = arith.constant 0 : i32
    %dma_wait3A_255 = arith.constant 0 : i32
    %dma_wait3A_256 = tpu.memref_slice %dma_wait3A_253[%dma_wait3A_254, %dma_wait3A_255] : memref<10000x64xbf16, #tpu.memory_space<hbm>> -> memref<10000x64xbf16, #tpu.memory_space<hbm>>
    %dma_wait3A_257 = tpu.memref_slice %arg10[%dma_wait3A_242] : memref<8x!tpu.dma_semaphore, #tpu.memory_space<semaphore_mem>> -> memref<1x!tpu.dma_semaphore, #tpu.memory_space<semaphore_mem>>
    %dma_wait3A_258 = tpu.memref_squeeze %dma_wait3A_257 : memref<1x!tpu.dma_semaphore, #tpu.memory_space<semaphore_mem>> -> memref<!tpu.dma_semaphore, #tpu.memory_space<semaphore_mem>>
    tpu.wait_indirect_dma semaphore(%dma_wait3A_258 : memref<!tpu.dma_semaphore, #tpu.memory_space<semaphore_mem>>) src(%dma_wait3A_256 : memref<10000x64xbf16, #tpu.memory_space<hbm>>) dst(%dma_wait3A_246 : memref<100x64xbf16, #tpu.memory_space<vmem>>)
    %dma_start3A_259 = arith.constant 2 : i32
    %dma_start3A_260 = arith.constant 194 : i32
    %dma_start3A_261 = arith.constant 2 : i32
    %dma_start3A_262 = arith.constant 0 : i32
    %dma_start3A_263 = arith.constant 0 : i32
    %dma_start3A_264 = tpu.memref_slice %arg7[%dma_start3A_259, %dma_start3A_262, %dma_start3A_263] : memref<8x100x64xbf16, #tpu.memory_space<vmem>> -> memref<1x100x64xbf16, #tpu.memory_space<vmem>>
    %dma_start3A_265 = tpu.memref_squeeze %dma_start3A_264 : memref<1x100x64xbf16, #tpu.memory_space<vmem>> -> memref<100x64xbf16, #tpu.memory_space<vmem>>
    %dma_start3A_266 = arith.constant 0 : i32
    %dma_start3A_267 = tpu.memref_slice %arg6[%dma_start3A_260, %dma_start3A_266] : memref<200x100xi32, #tpu.memory_space<vmem>> -> memref<1x100xi32, #tpu.memory_space<vmem>>
    %dma_start3A_268 = tpu.memref_squeeze %dma_start3A_267 : memref<1x100xi32, #tpu.memory_space<vmem>> -> memref<100xi32, #tpu.memory_space<vmem>>
    %dma_start3A_269 = arith.constant 0 : i32
    %dma_start3A_270 = arith.constant 0 : i32
    %dma_start3A_271 = tpu.memref_slice %arg9[%dma_start3A_269, %dma_start3A_270] : memref<10240x64xbf16, #tpu.memory_space<vmem_shared>> -> memref<10240x64xbf16, #tpu.memory_space<vmem_shared>>
    %dma_start3A_272 = tpu.memref_slice %arg11[%dma_start3A_261] : memref<8x!tpu.dma_semaphore, #tpu.memory_space<semaphore_mem>> -> memref<1x!tpu.dma_semaphore, #tpu.memory_space<semaphore_mem>>
    %dma_start3A_273 = tpu.memref_squeeze %dma_start3A_272 : memref<1x!tpu.dma_semaphore, #tpu.memory_space<semaphore_mem>> -> memref<!tpu.dma_semaphore, #tpu.memory_space<semaphore_mem>>
    tpu.enqueue_indirect_dma source(%dma_start3A_265 : memref<100x64xbf16, #tpu.memory_space<vmem>>) target(%dma_start3A_271 : memref<10240x64xbf16, #tpu.memory_space<vmem_shared>>) offsets(%dma_start3A_268 : memref<100xi32, #tpu.memory_space<vmem>>) semaphore(%dma_start3A_273 : memref<!tpu.dma_semaphore, #tpu.memory_space<semaphore_mem>>) {add = true}
    %dma_wait3A_274 = arith.constant 195 : i32
    %dma_wait3A_275 = arith.constant 3 : i32
    %dma_wait3A_276 = arith.constant 3 : i32
    %dma_wait3A_277 = arith.constant 0 : i32
    %dma_wait3A_278 = arith.constant 0 : i32
    %dma_wait3A_279 = tpu.memref_slice %arg7[%dma_wait3A_275, %dma_wait3A_277, %dma_wait3A_278] : memref<8x100x64xbf16, #tpu.memory_space<vmem>> -> memref<1x100x64xbf16, #tpu.memory_space<vmem>>
    %dma_wait3A_280 = tpu.memref_squeeze %dma_wait3A_279 : memref<1x100x64xbf16, #tpu.memory_space<vmem>> -> memref<100x64xbf16, #tpu.memory_space<vmem>>
    %dma_wait3A_281 = arith.constant 0 : i32
    %dma_wait3A_282 = tpu.memref_slice %arg5[%dma_wait3A_274, %dma_wait3A_281] : memref<200x100xi32, #tpu.memory_space<vmem>> -> memref<1x100xi32, #tpu.memory_space<vmem>>
    %dma_wait3A_283 = tpu.memref_squeeze %dma_wait3A_282 : memref<1x100xi32, #tpu.memory_space<vmem>> -> memref<100xi32, #tpu.memory_space<vmem>>
    %dma_wait3A_284 = arith.constant 0 : i32
    %dma_wait3A_285 = arith.constant 0 : i32
    %dma_wait3A_286 = tpu.memref_slice %arg2[%arg0, %dma_wait3A_284, %dma_wait3A_285] : memref<2x10000x64xbf16, #tpu.memory_space<hbm>> -> memref<1x10000x64xbf16, #tpu.memory_space<hbm>>
    %dma_wait3A_287 = tpu.memref_squeeze %dma_wait3A_286 : memref<1x10000x64xbf16, #tpu.memory_space<hbm>> -> memref<10000x64xbf16, #tpu.memory_space<hbm>>
    %dma_wait3A_288 = arith.constant 0 : i32
    %dma_wait3A_289 = arith.constant 0 : i32
    %dma_wait3A_290 = tpu.memref_slice %dma_wait3A_287[%dma_wait3A_288, %dma_wait3A_289] : memref<10000x64xbf16, #tpu.memory_space<hbm>> -> memref<10000x64xbf16, #tpu.memory_space<hbm>>
    %dma_wait3A_291 = tpu.memref_slice %arg10[%dma_wait3A_276] : memref<8x!tpu.dma_semaphore, #tpu.memory_space<semaphore_mem>> -> memref<1x!tpu.dma_semaphore, #tpu.memory_space<semaphore_mem>>
    %dma_wait3A_292 = tpu.memref_squeeze %dma_wait3A_291 : memref<1x!tpu.dma_semaphore, #tpu.memory_space<semaphore_mem>> -> memref<!tpu.dma_semaphore, #tpu.memory_space<semaphore_mem>>
    tpu.wait_indirect_dma semaphore(%dma_wait3A_292 : memref<!tpu.dma_semaphore, #tpu.memory_space<semaphore_mem>>) src(%dma_wait3A_290 : memref<10000x64xbf16, #tpu.memory_space<hbm>>) dst(%dma_wait3A_280 : memref<100x64xbf16, #tpu.memory_space<vmem>>)
    %dma_start3A_293 = arith.constant 3 : i32
    %dma_start3A_294 = arith.constant 195 : i32
    %dma_start3A_295 = arith.constant 3 : i32
    %dma_start3A_296 = arith.constant 0 : i32
    %dma_start3A_297 = arith.constant 0 : i32
    %dma_start3A_298 = tpu.memref_slice %arg7[%dma_start3A_293, %dma_start3A_296, %dma_start3A_297] : memref<8x100x64xbf16, #tpu.memory_space<vmem>> -> memref<1x100x64xbf16, #tpu.memory_space<vmem>>
    %dma_start3A_299 = tpu.memref_squeeze %dma_start3A_298 : memref<1x100x64xbf16, #tpu.memory_space<vmem>> -> memref<100x64xbf16, #tpu.memory_space<vmem>>
    %dma_start3A_300 = arith.constant 0 : i32
    %dma_start3A_301 = tpu.memref_slice %arg6[%dma_start3A_294, %dma_start3A_300] : memref<200x100xi32, #tpu.memory_space<vmem>> -> memref<1x100xi32, #tpu.memory_space<vmem>>
    %dma_start3A_302 = tpu.memref_squeeze %dma_start3A_301 : memref<1x100xi32, #tpu.memory_space<vmem>> -> memref<100xi32, #tpu.memory_space<vmem>>
    %dma_start3A_303 = arith.constant 0 : i32
    %dma_start3A_304 = arith.constant 0 : i32
    %dma_start3A_305 = tpu.memref_slice %arg9[%dma_start3A_303, %dma_start3A_304] : memref<10240x64xbf16, #tpu.memory_space<vmem_shared>> -> memref<10240x64xbf16, #tpu.memory_space<vmem_shared>>
    %dma_start3A_306 = tpu.memref_slice %arg11[%dma_start3A_295] : memref<8x!tpu.dma_semaphore, #tpu.memory_space<semaphore_mem>> -> memref<1x!tpu.dma_semaphore, #tpu.memory_space<semaphore_mem>>
    %dma_start3A_307 = tpu.memref_squeeze %dma_start3A_306 : memref<1x!tpu.dma_semaphore, #tpu.memory_space<semaphore_mem>> -> memref<!tpu.dma_semaphore, #tpu.memory_space<semaphore_mem>>
    tpu.enqueue_indirect_dma source(%dma_start3A_299 : memref<100x64xbf16, #tpu.memory_space<vmem>>) target(%dma_start3A_305 : memref<10240x64xbf16, #tpu.memory_space<vmem_shared>>) offsets(%dma_start3A_302 : memref<100xi32, #tpu.memory_space<vmem>>) semaphore(%dma_start3A_307 : memref<!tpu.dma_semaphore, #tpu.memory_space<semaphore_mem>>) {add = true}
    %dma_wait3A_308 = arith.constant 196 : i32
    %dma_wait3A_309 = arith.constant 4 : i32
    %dma_wait3A_310 = arith.constant 4 : i32
    %dma_wait3A_311 = arith.constant 0 : i32
    %dma_wait3A_312 = arith.constant 0 : i32
    %dma_wait3A_313 = tpu.memref_slice %arg7[%dma_wait3A_309, %dma_wait3A_311, %dma_wait3A_312] : memref<8x100x64xbf16, #tpu.memory_space<vmem>> -> memref<1x100x64xbf16, #tpu.memory_space<vmem>>
    %dma_wait3A_314 = tpu.memref_squeeze %dma_wait3A_313 : memref<1x100x64xbf16, #tpu.memory_space<vmem>> -> memref<100x64xbf16, #tpu.memory_space<vmem>>
    %dma_wait3A_315 = arith.constant 0 : i32
    %dma_wait3A_316 = tpu.memref_slice %arg5[%dma_wait3A_308, %dma_wait3A_315] : memref<200x100xi32, #tpu.memory_space<vmem>> -> memref<1x100xi32, #tpu.memory_space<vmem>>
    %dma_wait3A_317 = tpu.memref_squeeze %dma_wait3A_316 : memref<1x100xi32, #tpu.memory_space<vmem>> -> memref<100xi32, #tpu.memory_space<vmem>>
    %dma_wait3A_318 = arith.constant 0 : i32
    %dma_wait3A_319 = arith.constant 0 : i32
    %dma_wait3A_320 = tpu.memref_slice %arg2[%arg0, %dma_wait3A_318, %dma_wait3A_319] : memref<2x10000x64xbf16, #tpu.memory_space<hbm>> -> memref<1x10000x64xbf16, #tpu.memory_space<hbm>>
    %dma_wait3A_321 = tpu.memref_squeeze %dma_wait3A_320 : memref<1x10000x64xbf16, #tpu.memory_space<hbm>> -> memref<10000x64xbf16, #tpu.memory_space<hbm>>
    %dma_wait3A_322 = arith.constant 0 : i32
    %dma_wait3A_323 = arith.constant 0 : i32
    %dma_wait3A_324 = tpu.memref_slice %dma_wait3A_321[%dma_wait3A_322, %dma_wait3A_323] : memref<10000x64xbf16, #tpu.memory_space<hbm>> -> memref<10000x64xbf16, #tpu.memory_space<hbm>>
    %dma_wait3A_325 = tpu.memref_slice %arg10[%dma_wait3A_310] : memref<8x!tpu.dma_semaphore, #tpu.memory_space<semaphore_mem>> -> memref<1x!tpu.dma_semaphore, #tpu.memory_space<semaphore_mem>>
    %dma_wait3A_326 = tpu.memref_squeeze %dma_wait3A_325 : memref<1x!tpu.dma_semaphore, #tpu.memory_space<semaphore_mem>> -> memref<!tpu.dma_semaphore, #tpu.memory_space<semaphore_mem>>
    tpu.wait_indirect_dma semaphore(%dma_wait3A_326 : memref<!tpu.dma_semaphore, #tpu.memory_space<semaphore_mem>>) src(%dma_wait3A_324 : memref<10000x64xbf16, #tpu.memory_space<hbm>>) dst(%dma_wait3A_314 : memref<100x64xbf16, #tpu.memory_space<vmem>>)
    %dma_start3A_327 = arith.constant 4 : i32
    %dma_start3A_328 = arith.constant 196 : i32
    %dma_start3A_329 = arith.constant 4 : i32
    %dma_start3A_330 = arith.constant 0 : i32
    %dma_start3A_331 = arith.constant 0 : i32
    %dma_start3A_332 = tpu.memref_slice %arg7[%dma_start3A_327, %dma_start3A_330, %dma_start3A_331] : memref<8x100x64xbf16, #tpu.memory_space<vmem>> -> memref<1x100x64xbf16, #tpu.memory_space<vmem>>
    %dma_start3A_333 = tpu.memref_squeeze %dma_start3A_332 : memref<1x100x64xbf16, #tpu.memory_space<vmem>> -> memref<100x64xbf16, #tpu.memory_space<vmem>>
    %dma_start3A_334 = arith.constant 0 : i32
    %dma_start3A_335 = tpu.memref_slice %arg6[%dma_start3A_328, %dma_start3A_334] : memref<200x100xi32, #tpu.memory_space<vmem>> -> memref<1x100xi32, #tpu.memory_space<vmem>>
    %dma_start3A_336 = tpu.memref_squeeze %dma_start3A_335 : memref<1x100xi32, #tpu.memory_space<vmem>> -> memref<100xi32, #tpu.memory_space<vmem>>
    %dma_start3A_337 = arith.constant 0 : i32
    %dma_start3A_338 = arith.constant 0 : i32
    %dma_start3A_339 = tpu.memref_slice %arg9[%dma_start3A_337, %dma_start3A_338] : memref<10240x64xbf16, #tpu.memory_space<vmem_shared>> -> memref<10240x64xbf16, #tpu.memory_space<vmem_shared>>
    %dma_start3A_340 = tpu.memref_slice %arg11[%dma_start3A_329] : memref<8x!tpu.dma_semaphore, #tpu.memory_space<semaphore_mem>> -> memref<1x!tpu.dma_semaphore, #tpu.memory_space<semaphore_mem>>
    %dma_start3A_341 = tpu.memref_squeeze %dma_start3A_340 : memref<1x!tpu.dma_semaphore, #tpu.memory_space<semaphore_mem>> -> memref<!tpu.dma_semaphore, #tpu.memory_space<semaphore_mem>>
    tpu.enqueue_indirect_dma source(%dma_start3A_333 : memref<100x64xbf16, #tpu.memory_space<vmem>>) target(%dma_start3A_339 : memref<10240x64xbf16, #tpu.memory_space<vmem_shared>>) offsets(%dma_start3A_336 : memref<100xi32, #tpu.memory_space<vmem>>) semaphore(%dma_start3A_341 : memref<!tpu.dma_semaphore, #tpu.memory_space<semaphore_mem>>) {add = true}
    %dma_wait3A_342 = arith.constant 197 : i32
    %dma_wait3A_343 = arith.constant 5 : i32
    %dma_wait3A_344 = arith.constant 5 : i32
    %dma_wait3A_345 = arith.constant 0 : i32
    %dma_wait3A_346 = arith.constant 0 : i32
    %dma_wait3A_347 = tpu.memref_slice %arg7[%dma_wait3A_343, %dma_wait3A_345, %dma_wait3A_346] : memref<8x100x64xbf16, #tpu.memory_space<vmem>> -> memref<1x100x64xbf16, #tpu.memory_space<vmem>>
    %dma_wait3A_348 = tpu.memref_squeeze %dma_wait3A_347 : memref<1x100x64xbf16, #tpu.memory_space<vmem>> -> memref<100x64xbf16, #tpu.memory_space<vmem>>
    %dma_wait3A_349 = arith.constant 0 : i32
    %dma_wait3A_350 = tpu.memref_slice %arg5[%dma_wait3A_342, %dma_wait3A_349] : memref<200x100xi32, #tpu.memory_space<vmem>> -> memref<1x100xi32, #tpu.memory_space<vmem>>
    %dma_wait3A_351 = tpu.memref_squeeze %dma_wait3A_350 : memref<1x100xi32, #tpu.memory_space<vmem>> -> memref<100xi32, #tpu.memory_space<vmem>>
    %dma_wait3A_352 = arith.constant 0 : i32
    %dma_wait3A_353 = arith.constant 0 : i32
    %dma_wait3A_354 = tpu.memref_slice %arg2[%arg0, %dma_wait3A_352, %dma_wait3A_353] : memref<2x10000x64xbf16, #tpu.memory_space<hbm>> -> memref<1x10000x64xbf16, #tpu.memory_space<hbm>>
    %dma_wait3A_355 = tpu.memref_squeeze %dma_wait3A_354 : memref<1x10000x64xbf16, #tpu.memory_space<hbm>> -> memref<10000x64xbf16, #tpu.memory_space<hbm>>
    %dma_wait3A_356 = arith.constant 0 : i32
    %dma_wait3A_357 = arith.constant 0 : i32
    %dma_wait3A_358 = tpu.memref_slice %dma_wait3A_355[%dma_wait3A_356, %dma_wait3A_357] : memref<10000x64xbf16, #tpu.memory_space<hbm>> -> memref<10000x64xbf16, #tpu.memory_space<hbm>>
    %dma_wait3A_359 = tpu.memref_slice %arg10[%dma_wait3A_344] : memref<8x!tpu.dma_semaphore, #tpu.memory_space<semaphore_mem>> -> memref<1x!tpu.dma_semaphore, #tpu.memory_space<semaphore_mem>>
    %dma_wait3A_360 = tpu.memref_squeeze %dma_wait3A_359 : memref<1x!tpu.dma_semaphore, #tpu.memory_space<semaphore_mem>> -> memref<!tpu.dma_semaphore, #tpu.memory_space<semaphore_mem>>
    tpu.wait_indirect_dma semaphore(%dma_wait3A_360 : memref<!tpu.dma_semaphore, #tpu.memory_space<semaphore_mem>>) src(%dma_wait3A_358 : memref<10000x64xbf16, #tpu.memory_space<hbm>>) dst(%dma_wait3A_348 : memref<100x64xbf16, #tpu.memory_space<vmem>>)
    %dma_start3A_361 = arith.constant 5 : i32
    %dma_start3A_362 = arith.constant 197 : i32
    %dma_start3A_363 = arith.constant 5 : i32
    %dma_start3A_364 = arith.constant 0 : i32
    %dma_start3A_365 = arith.constant 0 : i32
    %dma_start3A_366 = tpu.memref_slice %arg7[%dma_start3A_361, %dma_start3A_364, %dma_start3A_365] : memref<8x100x64xbf16, #tpu.memory_space<vmem>> -> memref<1x100x64xbf16, #tpu.memory_space<vmem>>
    %dma_start3A_367 = tpu.memref_squeeze %dma_start3A_366 : memref<1x100x64xbf16, #tpu.memory_space<vmem>> -> memref<100x64xbf16, #tpu.memory_space<vmem>>
    %dma_start3A_368 = arith.constant 0 : i32
    %dma_start3A_369 = tpu.memref_slice %arg6[%dma_start3A_362, %dma_start3A_368] : memref<200x100xi32, #tpu.memory_space<vmem>> -> memref<1x100xi32, #tpu.memory_space<vmem>>
    %dma_start3A_370 = tpu.memref_squeeze %dma_start3A_369 : memref<1x100xi32, #tpu.memory_space<vmem>> -> memref<100xi32, #tpu.memory_space<vmem>>
    %dma_start3A_371 = arith.constant 0 : i32
    %dma_start3A_372 = arith.constant 0 : i32
    %dma_start3A_373 = tpu.memref_slice %arg9[%dma_start3A_371, %dma_start3A_372] : memref<10240x64xbf16, #tpu.memory_space<vmem_shared>> -> memref<10240x64xbf16, #tpu.memory_space<vmem_shared>>
    %dma_start3A_374 = tpu.memref_slice %arg11[%dma_start3A_363] : memref<8x!tpu.dma_semaphore, #tpu.memory_space<semaphore_mem>> -> memref<1x!tpu.dma_semaphore, #tpu.memory_space<semaphore_mem>>
    %dma_start3A_375 = tpu.memref_squeeze %dma_start3A_374 : memref<1x!tpu.dma_semaphore, #tpu.memory_space<semaphore_mem>> -> memref<!tpu.dma_semaphore, #tpu.memory_space<semaphore_mem>>
    tpu.enqueue_indirect_dma source(%dma_start3A_367 : memref<100x64xbf16, #tpu.memory_space<vmem>>) target(%dma_start3A_373 : memref<10240x64xbf16, #tpu.memory_space<vmem_shared>>) offsets(%dma_start3A_370 : memref<100xi32, #tpu.memory_space<vmem>>) semaphore(%dma_start3A_375 : memref<!tpu.dma_semaphore, #tpu.memory_space<semaphore_mem>>) {add = true}
    %dma_wait3A_376 = arith.constant 198 : i32
    %dma_wait3A_377 = arith.constant 6 : i32
    %dma_wait3A_378 = arith.constant 6 : i32
    %dma_wait3A_379 = arith.constant 0 : i32
    %dma_wait3A_380 = arith.constant 0 : i32
    %dma_wait3A_381 = tpu.memref_slice %arg7[%dma_wait3A_377, %dma_wait3A_379, %dma_wait3A_380] : memref<8x100x64xbf16, #tpu.memory_space<vmem>> -> memref<1x100x64xbf16, #tpu.memory_space<vmem>>
    %dma_wait3A_382 = tpu.memref_squeeze %dma_wait3A_381 : memref<1x100x64xbf16, #tpu.memory_space<vmem>> -> memref<100x64xbf16, #tpu.memory_space<vmem>>
    %dma_wait3A_383 = arith.constant 0 : i32
    %dma_wait3A_384 = tpu.memref_slice %arg5[%dma_wait3A_376, %dma_wait3A_383] : memref<200x100xi32, #tpu.memory_space<vmem>> -> memref<1x100xi32, #tpu.memory_space<vmem>>
    %dma_wait3A_385 = tpu.memref_squeeze %dma_wait3A_384 : memref<1x100xi32, #tpu.memory_space<vmem>> -> memref<100xi32, #tpu.memory_space<vmem>>
    %dma_wait3A_386 = arith.constant 0 : i32
    %dma_wait3A_387 = arith.constant 0 : i32
    %dma_wait3A_388 = tpu.memref_slice %arg2[%arg0, %dma_wait3A_386, %dma_wait3A_387] : memref<2x10000x64xbf16, #tpu.memory_space<hbm>> -> memref<1x10000x64xbf16, #tpu.memory_space<hbm>>
    %dma_wait3A_389 = tpu.memref_squeeze %dma_wait3A_388 : memref<1x10000x64xbf16, #tpu.memory_space<hbm>> -> memref<10000x64xbf16, #tpu.memory_space<hbm>>
    %dma_wait3A_390 = arith.constant 0 : i32
    %dma_wait3A_391 = arith.constant 0 : i32
    %dma_wait3A_392 = tpu.memref_slice %dma_wait3A_389[%dma_wait3A_390, %dma_wait3A_391] : memref<10000x64xbf16, #tpu.memory_space<hbm>> -> memref<10000x64xbf16, #tpu.memory_space<hbm>>
    %dma_wait3A_393 = tpu.memref_slice %arg10[%dma_wait3A_378] : memref<8x!tpu.dma_semaphore, #tpu.memory_space<semaphore_mem>> -> memref<1x!tpu.dma_semaphore, #tpu.memory_space<semaphore_mem>>
    %dma_wait3A_394 = tpu.memref_squeeze %dma_wait3A_393 : memref<1x!tpu.dma_semaphore, #tpu.memory_space<semaphore_mem>> -> memref<!tpu.dma_semaphore, #tpu.memory_space<semaphore_mem>>
    tpu.wait_indirect_dma semaphore(%dma_wait3A_394 : memref<!tpu.dma_semaphore, #tpu.memory_space<semaphore_mem>>) src(%dma_wait3A_392 : memref<10000x64xbf16, #tpu.memory_space<hbm>>) dst(%dma_wait3A_382 : memref<100x64xbf16, #tpu.memory_space<vmem>>)
    %dma_start3A_395 = arith.constant 6 : i32
    %dma_start3A_396 = arith.constant 198 : i32
    %dma_start3A_397 = arith.constant 6 : i32
    %dma_start3A_398 = arith.constant 0 : i32
    %dma_start3A_399 = arith.constant 0 : i32
    %dma_start3A_400 = tpu.memref_slice %arg7[%dma_start3A_395, %dma_start3A_398, %dma_start3A_399] : memref<8x100x64xbf16, #tpu.memory_space<vmem>> -> memref<1x100x64xbf16, #tpu.memory_space<vmem>>
    %dma_start3A_401 = tpu.memref_squeeze %dma_start3A_400 : memref<1x100x64xbf16, #tpu.memory_space<vmem>> -> memref<100x64xbf16, #tpu.memory_space<vmem>>
    %dma_start3A_402 = arith.constant 0 : i32
    %dma_start3A_403 = tpu.memref_slice %arg6[%dma_start3A_396, %dma_start3A_402] : memref<200x100xi32, #tpu.memory_space<vmem>> -> memref<1x100xi32, #tpu.memory_space<vmem>>
    %dma_start3A_404 = tpu.memref_squeeze %dma_start3A_403 : memref<1x100xi32, #tpu.memory_space<vmem>> -> memref<100xi32, #tpu.memory_space<vmem>>
    %dma_start3A_405 = arith.constant 0 : i32
    %dma_start3A_406 = arith.constant 0 : i32
    %dma_start3A_407 = tpu.memref_slice %arg9[%dma_start3A_405, %dma_start3A_406] : memref<10240x64xbf16, #tpu.memory_space<vmem_shared>> -> memref<10240x64xbf16, #tpu.memory_space<vmem_shared>>
    %dma_start3A_408 = tpu.memref_slice %arg11[%dma_start3A_397] : memref<8x!tpu.dma_semaphore, #tpu.memory_space<semaphore_mem>> -> memref<1x!tpu.dma_semaphore, #tpu.memory_space<semaphore_mem>>
    %dma_start3A_409 = tpu.memref_squeeze %dma_start3A_408 : memref<1x!tpu.dma_semaphore, #tpu.memory_space<semaphore_mem>> -> memref<!tpu.dma_semaphore, #tpu.memory_space<semaphore_mem>>
    tpu.enqueue_indirect_dma source(%dma_start3A_401 : memref<100x64xbf16, #tpu.memory_space<vmem>>) target(%dma_start3A_407 : memref<10240x64xbf16, #tpu.memory_space<vmem_shared>>) offsets(%dma_start3A_404 : memref<100xi32, #tpu.memory_space<vmem>>) semaphore(%dma_start3A_409 : memref<!tpu.dma_semaphore, #tpu.memory_space<semaphore_mem>>) {add = true}
    %dma_wait3A_410 = arith.constant 199 : i32
    %dma_wait3A_411 = arith.constant 7 : i32
    %dma_wait3A_412 = arith.constant 7 : i32
    %dma_wait3A_413 = arith.constant 0 : i32
    %dma_wait3A_414 = arith.constant 0 : i32
    %dma_wait3A_415 = tpu.memref_slice %arg7[%dma_wait3A_411, %dma_wait3A_413, %dma_wait3A_414] : memref<8x100x64xbf16, #tpu.memory_space<vmem>> -> memref<1x100x64xbf16, #tpu.memory_space<vmem>>
    %dma_wait3A_416 = tpu.memref_squeeze %dma_wait3A_415 : memref<1x100x64xbf16, #tpu.memory_space<vmem>> -> memref<100x64xbf16, #tpu.memory_space<vmem>>
    %dma_wait3A_417 = arith.constant 0 : i32
    %dma_wait3A_418 = tpu.memref_slice %arg5[%dma_wait3A_410, %dma_wait3A_417] : memref<200x100xi32, #tpu.memory_space<vmem>> -> memref<1x100xi32, #tpu.memory_space<vmem>>
    %dma_wait3A_419 = tpu.memref_squeeze %dma_wait3A_418 : memref<1x100xi32, #tpu.memory_space<vmem>> -> memref<100xi32, #tpu.memory_space<vmem>>
    %dma_wait3A_420 = arith.constant 0 : i32
    %dma_wait3A_421 = arith.constant 0 : i32
    %dma_wait3A_422 = tpu.memref_slice %arg2[%arg0, %dma_wait3A_420, %dma_wait3A_421] : memref<2x10000x64xbf16, #tpu.memory_space<hbm>> -> memref<1x10000x64xbf16, #tpu.memory_space<hbm>>
    %dma_wait3A_423 = tpu.memref_squeeze %dma_wait3A_422 : memref<1x10000x64xbf16, #tpu.memory_space<hbm>> -> memref<10000x64xbf16, #tpu.memory_space<hbm>>
    %dma_wait3A_424 = arith.constant 0 : i32
    %dma_wait3A_425 = arith.constant 0 : i32
    %dma_wait3A_426 = tpu.memref_slice %dma_wait3A_423[%dma_wait3A_424, %dma_wait3A_425] : memref<10000x64xbf16, #tpu.memory_space<hbm>> -> memref<10000x64xbf16, #tpu.memory_space<hbm>>
    %dma_wait3A_427 = tpu.memref_slice %arg10[%dma_wait3A_412] : memref<8x!tpu.dma_semaphore, #tpu.memory_space<semaphore_mem>> -> memref<1x!tpu.dma_semaphore, #tpu.memory_space<semaphore_mem>>
    %dma_wait3A_428 = tpu.memref_squeeze %dma_wait3A_427 : memref<1x!tpu.dma_semaphore, #tpu.memory_space<semaphore_mem>> -> memref<!tpu.dma_semaphore, #tpu.memory_space<semaphore_mem>>
    tpu.wait_indirect_dma semaphore(%dma_wait3A_428 : memref<!tpu.dma_semaphore, #tpu.memory_space<semaphore_mem>>) src(%dma_wait3A_426 : memref<10000x64xbf16, #tpu.memory_space<hbm>>) dst(%dma_wait3A_416 : memref<100x64xbf16, #tpu.memory_space<vmem>>)
    %dma_start3A_429 = arith.constant 7 : i32
    %dma_start3A_430 = arith.constant 199 : i32
    %dma_start3A_431 = arith.constant 7 : i32
    %dma_start3A_432 = arith.constant 0 : i32
    %dma_start3A_433 = arith.constant 0 : i32
    %dma_start3A_434 = tpu.memref_slice %arg7[%dma_start3A_429, %dma_start3A_432, %dma_start3A_433] : memref<8x100x64xbf16, #tpu.memory_space<vmem>> -> memref<1x100x64xbf16, #tpu.memory_space<vmem>>
    %dma_start3A_435 = tpu.memref_squeeze %dma_start3A_434 : memref<1x100x64xbf16, #tpu.memory_space<vmem>> -> memref<100x64xbf16, #tpu.memory_space<vmem>>
    %dma_start3A_436 = arith.constant 0 : i32
    %dma_start3A_437 = tpu.memref_slice %arg6[%dma_start3A_430, %dma_start3A_436] : memref<200x100xi32, #tpu.memory_space<vmem>> -> memref<1x100xi32, #tpu.memory_space<vmem>>
    %dma_start3A_438 = tpu.memref_squeeze %dma_start3A_437 : memref<1x100xi32, #tpu.memory_space<vmem>> -> memref<100xi32, #tpu.memory_space<vmem>>
    %dma_start3A_439 = arith.constant 0 : i32
    %dma_start3A_440 = arith.constant 0 : i32
    %dma_start3A_441 = tpu.memref_slice %arg9[%dma_start3A_439, %dma_start3A_440] : memref<10240x64xbf16, #tpu.memory_space<vmem_shared>> -> memref<10240x64xbf16, #tpu.memory_space<vmem_shared>>
    %dma_start3A_442 = tpu.memref_slice %arg11[%dma_start3A_431] : memref<8x!tpu.dma_semaphore, #tpu.memory_space<semaphore_mem>> -> memref<1x!tpu.dma_semaphore, #tpu.memory_space<semaphore_mem>>
    %dma_start3A_443 = tpu.memref_squeeze %dma_start3A_442 : memref<1x!tpu.dma_semaphore, #tpu.memory_space<semaphore_mem>> -> memref<!tpu.dma_semaphore, #tpu.memory_space<semaphore_mem>>
    tpu.enqueue_indirect_dma source(%dma_start3A_435 : memref<100x64xbf16, #tpu.memory_space<vmem>>) target(%dma_start3A_441 : memref<10240x64xbf16, #tpu.memory_space<vmem_shared>>) offsets(%dma_start3A_438 : memref<100xi32, #tpu.memory_space<vmem>>) semaphore(%dma_start3A_443 : memref<!tpu.dma_semaphore, #tpu.memory_space<semaphore_mem>>) {add = true}
    %dma_wait3A_444 = arith.constant 0 : i32
    %dma_wait3A_445 = arith.constant 192 : i32
    %dma_wait3A_446 = arith.constant 0 : i32
    %dma_wait3A_447 = arith.constant 0 : i32
    %dma_wait3A_448 = arith.constant 0 : i32
    %dma_wait3A_449 = tpu.memref_slice %arg7[%dma_wait3A_444, %dma_wait3A_447, %dma_wait3A_448] : memref<8x100x64xbf16, #tpu.memory_space<vmem>> -> memref<1x100x64xbf16, #tpu.memory_space<vmem>>
    %dma_wait3A_450 = tpu.memref_squeeze %dma_wait3A_449 : memref<1x100x64xbf16, #tpu.memory_space<vmem>> -> memref<100x64xbf16, #tpu.memory_space<vmem>>
    %dma_wait3A_451 = arith.constant 0 : i32
    %dma_wait3A_452 = tpu.memref_slice %arg6[%dma_wait3A_445, %dma_wait3A_451] : memref<200x100xi32, #tpu.memory_space<vmem>> -> memref<1x100xi32, #tpu.memory_space<vmem>>
    %dma_wait3A_453 = tpu.memref_squeeze %dma_wait3A_452 : memref<1x100xi32, #tpu.memory_space<vmem>> -> memref<100xi32, #tpu.memory_space<vmem>>
    %dma_wait3A_454 = arith.constant 0 : i32
    %dma_wait3A_455 = arith.constant 0 : i32
    %dma_wait3A_456 = tpu.memref_slice %arg9[%dma_wait3A_454, %dma_wait3A_455] : memref<10240x64xbf16, #tpu.memory_space<vmem_shared>> -> memref<10240x64xbf16, #tpu.memory_space<vmem_shared>>
    %dma_wait3A_457 = tpu.memref_slice %arg11[%dma_wait3A_446] : memref<8x!tpu.dma_semaphore, #tpu.memory_space<semaphore_mem>> -> memref<1x!tpu.dma_semaphore, #tpu.memory_space<semaphore_mem>>
    %dma_wait3A_458 = tpu.memref_squeeze %dma_wait3A_457 : memref<1x!tpu.dma_semaphore, #tpu.memory_space<semaphore_mem>> -> memref<!tpu.dma_semaphore, #tpu.memory_space<semaphore_mem>>
    tpu.wait_indirect_dma semaphore(%dma_wait3A_458 : memref<!tpu.dma_semaphore, #tpu.memory_space<semaphore_mem>>) src(%dma_wait3A_450 : memref<100x64xbf16, #tpu.memory_space<vmem>>) dst(%dma_wait3A_456 : memref<10240x64xbf16, #tpu.memory_space<vmem_shared>>)
    %dma_wait3A_459 = arith.constant 1 : i32
    %dma_wait3A_460 = arith.constant 193 : i32
    %dma_wait3A_461 = arith.constant 1 : i32
    %dma_wait3A_462 = arith.constant 0 : i32
    %dma_wait3A_463 = arith.constant 0 : i32
    %dma_wait3A_464 = tpu.memref_slice %arg7[%dma_wait3A_459, %dma_wait3A_462, %dma_wait3A_463] : memref<8x100x64xbf16, #tpu.memory_space<vmem>> -> memref<1x100x64xbf16, #tpu.memory_space<vmem>>
    %dma_wait3A_465 = tpu.memref_squeeze %dma_wait3A_464 : memref<1x100x64xbf16, #tpu.memory_space<vmem>> -> memref<100x64xbf16, #tpu.memory_space<vmem>>
    %dma_wait3A_466 = arith.constant 0 : i32
    %dma_wait3A_467 = tpu.memref_slice %arg6[%dma_wait3A_460, %dma_wait3A_466] : memref<200x100xi32, #tpu.memory_space<vmem>> -> memref<1x100xi32, #tpu.memory_space<vmem>>
    %dma_wait3A_468 = tpu.memref_squeeze %dma_wait3A_467 : memref<1x100xi32, #tpu.memory_space<vmem>> -> memref<100xi32, #tpu.memory_space<vmem>>
    %dma_wait3A_469 = arith.constant 0 : i32
    %dma_wait3A_470 = arith.constant 0 : i32
    %dma_wait3A_471 = tpu.memref_slice %arg9[%dma_wait3A_469, %dma_wait3A_470] : memref<10240x64xbf16, #tpu.memory_space<vmem_shared>> -> memref<10240x64xbf16, #tpu.memory_space<vmem_shared>>
    %dma_wait3A_472 = tpu.memref_slice %arg11[%dma_wait3A_461] : memref<8x!tpu.dma_semaphore, #tpu.memory_space<semaphore_mem>> -> memref<1x!tpu.dma_semaphore, #tpu.memory_space<semaphore_mem>>
    %dma_wait3A_473 = tpu.memref_squeeze %dma_wait3A_472 : memref<1x!tpu.dma_semaphore, #tpu.memory_space<semaphore_mem>> -> memref<!tpu.dma_semaphore, #tpu.memory_space<semaphore_mem>>
    tpu.wait_indirect_dma semaphore(%dma_wait3A_473 : memref<!tpu.dma_semaphore, #tpu.memory_space<semaphore_mem>>) src(%dma_wait3A_465 : memref<100x64xbf16, #tpu.memory_space<vmem>>) dst(%dma_wait3A_471 : memref<10240x64xbf16, #tpu.memory_space<vmem_shared>>)
    %dma_wait3A_474 = arith.constant 2 : i32
    %dma_wait3A_475 = arith.constant 194 : i32
    %dma_wait3A_476 = arith.constant 2 : i32
    %dma_wait3A_477 = arith.constant 0 : i32
    %dma_wait3A_478 = arith.constant 0 : i32
    %dma_wait3A_479 = tpu.memref_slice %arg7[%dma_wait3A_474, %dma_wait3A_477, %dma_wait3A_478] : memref<8x100x64xbf16, #tpu.memory_space<vmem>> -> memref<1x100x64xbf16, #tpu.memory_space<vmem>>
    %dma_wait3A_480 = tpu.memref_squeeze %dma_wait3A_479 : memref<1x100x64xbf16, #tpu.memory_space<vmem>> -> memref<100x64xbf16, #tpu.memory_space<vmem>>
    %dma_wait3A_481 = arith.constant 0 : i32
    %dma_wait3A_482 = tpu.memref_slice %arg6[%dma_wait3A_475, %dma_wait3A_481] : memref<200x100xi32, #tpu.memory_space<vmem>> -> memref<1x100xi32, #tpu.memory_space<vmem>>
    %dma_wait3A_483 = tpu.memref_squeeze %dma_wait3A_482 : memref<1x100xi32, #tpu.memory_space<vmem>> -> memref<100xi32, #tpu.memory_space<vmem>>
    %dma_wait3A_484 = arith.constant 0 : i32
    %dma_wait3A_485 = arith.constant 0 : i32
    %dma_wait3A_486 = tpu.memref_slice %arg9[%dma_wait3A_484, %dma_wait3A_485] : memref<10240x64xbf16, #tpu.memory_space<vmem_shared>> -> memref<10240x64xbf16, #tpu.memory_space<vmem_shared>>
    %dma_wait3A_487 = tpu.memref_slice %arg11[%dma_wait3A_476] : memref<8x!tpu.dma_semaphore, #tpu.memory_space<semaphore_mem>> -> memref<1x!tpu.dma_semaphore, #tpu.memory_space<semaphore_mem>>
    %dma_wait3A_488 = tpu.memref_squeeze %dma_wait3A_487 : memref<1x!tpu.dma_semaphore, #tpu.memory_space<semaphore_mem>> -> memref<!tpu.dma_semaphore, #tpu.memory_space<semaphore_mem>>
    tpu.wait_indirect_dma semaphore(%dma_wait3A_488 : memref<!tpu.dma_semaphore, #tpu.memory_space<semaphore_mem>>) src(%dma_wait3A_480 : memref<100x64xbf16, #tpu.memory_space<vmem>>) dst(%dma_wait3A_486 : memref<10240x64xbf16, #tpu.memory_space<vmem_shared>>)
    %dma_wait3A_489 = arith.constant 3 : i32
    %dma_wait3A_490 = arith.constant 195 : i32
    %dma_wait3A_491 = arith.constant 3 : i32
    %dma_wait3A_492 = arith.constant 0 : i32
    %dma_wait3A_493 = arith.constant 0 : i32
    %dma_wait3A_494 = tpu.memref_slice %arg7[%dma_wait3A_489, %dma_wait3A_492, %dma_wait3A_493] : memref<8x100x64xbf16, #tpu.memory_space<vmem>> -> memref<1x100x64xbf16, #tpu.memory_space<vmem>>
    %dma_wait3A_495 = tpu.memref_squeeze %dma_wait3A_494 : memref<1x100x64xbf16, #tpu.memory_space<vmem>> -> memref<100x64xbf16, #tpu.memory_space<vmem>>
    %dma_wait3A_496 = arith.constant 0 : i32
    %dma_wait3A_497 = tpu.memref_slice %arg6[%dma_wait3A_490, %dma_wait3A_496] : memref<200x100xi32, #tpu.memory_space<vmem>> -> memref<1x100xi32, #tpu.memory_space<vmem>>
    %dma_wait3A_498 = tpu.memref_squeeze %dma_wait3A_497 : memref<1x100xi32, #tpu.memory_space<vmem>> -> memref<100xi32, #tpu.memory_space<vmem>>
    %dma_wait3A_499 = arith.constant 0 : i32
    %dma_wait3A_500 = arith.constant 0 : i32
    %dma_wait3A_501 = tpu.memref_slice %arg9[%dma_wait3A_499, %dma_wait3A_500] : memref<10240x64xbf16, #tpu.memory_space<vmem_shared>> -> memref<10240x64xbf16, #tpu.memory_space<vmem_shared>>
    %dma_wait3A_502 = tpu.memref_slice %arg11[%dma_wait3A_491] : memref<8x!tpu.dma_semaphore, #tpu.memory_space<semaphore_mem>> -> memref<1x!tpu.dma_semaphore, #tpu.memory_space<semaphore_mem>>
    %dma_wait3A_503 = tpu.memref_squeeze %dma_wait3A_502 : memref<1x!tpu.dma_semaphore, #tpu.memory_space<semaphore_mem>> -> memref<!tpu.dma_semaphore, #tpu.memory_space<semaphore_mem>>
    tpu.wait_indirect_dma semaphore(%dma_wait3A_503 : memref<!tpu.dma_semaphore, #tpu.memory_space<semaphore_mem>>) src(%dma_wait3A_495 : memref<100x64xbf16, #tpu.memory_space<vmem>>) dst(%dma_wait3A_501 : memref<10240x64xbf16, #tpu.memory_space<vmem_shared>>)
    %dma_wait3A_504 = arith.constant 4 : i32
    %dma_wait3A_505 = arith.constant 196 : i32
    %dma_wait3A_506 = arith.constant 4 : i32
    %dma_wait3A_507 = arith.constant 0 : i32
    %dma_wait3A_508 = arith.constant 0 : i32
    %dma_wait3A_509 = tpu.memref_slice %arg7[%dma_wait3A_504, %dma_wait3A_507, %dma_wait3A_508] : memref<8x100x64xbf16, #tpu.memory_space<vmem>> -> memref<1x100x64xbf16, #tpu.memory_space<vmem>>
    %dma_wait3A_510 = tpu.memref_squeeze %dma_wait3A_509 : memref<1x100x64xbf16, #tpu.memory_space<vmem>> -> memref<100x64xbf16, #tpu.memory_space<vmem>>
    %dma_wait3A_511 = arith.constant 0 : i32
    %dma_wait3A_512 = tpu.memref_slice %arg6[%dma_wait3A_505, %dma_wait3A_511] : memref<200x100xi32, #tpu.memory_space<vmem>> -> memref<1x100xi32, #tpu.memory_space<vmem>>
    %dma_wait3A_513 = tpu.memref_squeeze %dma_wait3A_512 : memref<1x100xi32, #tpu.memory_space<vmem>> -> memref<100xi32, #tpu.memory_space<vmem>>
    %dma_wait3A_514 = arith.constant 0 : i32
    %dma_wait3A_515 = arith.constant 0 : i32
    %dma_wait3A_516 = tpu.memref_slice %arg9[%dma_wait3A_514, %dma_wait3A_515] : memref<10240x64xbf16, #tpu.memory_space<vmem_shared>> -> memref<10240x64xbf16, #tpu.memory_space<vmem_shared>>
    %dma_wait3A_517 = tpu.memref_slice %arg11[%dma_wait3A_506] : memref<8x!tpu.dma_semaphore, #tpu.memory_space<semaphore_mem>> -> memref<1x!tpu.dma_semaphore, #tpu.memory_space<semaphore_mem>>
    %dma_wait3A_518 = tpu.memref_squeeze %dma_wait3A_517 : memref<1x!tpu.dma_semaphore, #tpu.memory_space<semaphore_mem>> -> memref<!tpu.dma_semaphore, #tpu.memory_space<semaphore_mem>>
    tpu.wait_indirect_dma semaphore(%dma_wait3A_518 : memref<!tpu.dma_semaphore, #tpu.memory_space<semaphore_mem>>) src(%dma_wait3A_510 : memref<100x64xbf16, #tpu.memory_space<vmem>>) dst(%dma_wait3A_516 : memref<10240x64xbf16, #tpu.memory_space<vmem_shared>>)
    %dma_wait3A_519 = arith.constant 5 : i32
    %dma_wait3A_520 = arith.constant 197 : i32
    %dma_wait3A_521 = arith.constant 5 : i32
    %dma_wait3A_522 = arith.constant 0 : i32
    %dma_wait3A_523 = arith.constant 0 : i32
    %dma_wait3A_524 = tpu.memref_slice %arg7[%dma_wait3A_519, %dma_wait3A_522, %dma_wait3A_523] : memref<8x100x64xbf16, #tpu.memory_space<vmem>> -> memref<1x100x64xbf16, #tpu.memory_space<vmem>>
    %dma_wait3A_525 = tpu.memref_squeeze %dma_wait3A_524 : memref<1x100x64xbf16, #tpu.memory_space<vmem>> -> memref<100x64xbf16, #tpu.memory_space<vmem>>
    %dma_wait3A_526 = arith.constant 0 : i32
    %dma_wait3A_527 = tpu.memref_slice %arg6[%dma_wait3A_520, %dma_wait3A_526] : memref<200x100xi32, #tpu.memory_space<vmem>> -> memref<1x100xi32, #tpu.memory_space<vmem>>
    %dma_wait3A_528 = tpu.memref_squeeze %dma_wait3A_527 : memref<1x100xi32, #tpu.memory_space<vmem>> -> memref<100xi32, #tpu.memory_space<vmem>>
    %dma_wait3A_529 = arith.constant 0 : i32
    %dma_wait3A_530 = arith.constant 0 : i32
    %dma_wait3A_531 = tpu.memref_slice %arg9[%dma_wait3A_529, %dma_wait3A_530] : memref<10240x64xbf16, #tpu.memory_space<vmem_shared>> -> memref<10240x64xbf16, #tpu.memory_space<vmem_shared>>
    %dma_wait3A_532 = tpu.memref_slice %arg11[%dma_wait3A_521] : memref<8x!tpu.dma_semaphore, #tpu.memory_space<semaphore_mem>> -> memref<1x!tpu.dma_semaphore, #tpu.memory_space<semaphore_mem>>
    %dma_wait3A_533 = tpu.memref_squeeze %dma_wait3A_532 : memref<1x!tpu.dma_semaphore, #tpu.memory_space<semaphore_mem>> -> memref<!tpu.dma_semaphore, #tpu.memory_space<semaphore_mem>>
    tpu.wait_indirect_dma semaphore(%dma_wait3A_533 : memref<!tpu.dma_semaphore, #tpu.memory_space<semaphore_mem>>) src(%dma_wait3A_525 : memref<100x64xbf16, #tpu.memory_space<vmem>>) dst(%dma_wait3A_531 : memref<10240x64xbf16, #tpu.memory_space<vmem_shared>>)
    %dma_wait3A_534 = arith.constant 6 : i32
    %dma_wait3A_535 = arith.constant 198 : i32
    %dma_wait3A_536 = arith.constant 6 : i32
    %dma_wait3A_537 = arith.constant 0 : i32
    %dma_wait3A_538 = arith.constant 0 : i32
    %dma_wait3A_539 = tpu.memref_slice %arg7[%dma_wait3A_534, %dma_wait3A_537, %dma_wait3A_538] : memref<8x100x64xbf16, #tpu.memory_space<vmem>> -> memref<1x100x64xbf16, #tpu.memory_space<vmem>>
    %dma_wait3A_540 = tpu.memref_squeeze %dma_wait3A_539 : memref<1x100x64xbf16, #tpu.memory_space<vmem>> -> memref<100x64xbf16, #tpu.memory_space<vmem>>
    %dma_wait3A_541 = arith.constant 0 : i32
    %dma_wait3A_542 = tpu.memref_slice %arg6[%dma_wait3A_535, %dma_wait3A_541] : memref<200x100xi32, #tpu.memory_space<vmem>> -> memref<1x100xi32, #tpu.memory_space<vmem>>
    %dma_wait3A_543 = tpu.memref_squeeze %dma_wait3A_542 : memref<1x100xi32, #tpu.memory_space<vmem>> -> memref<100xi32, #tpu.memory_space<vmem>>
    %dma_wait3A_544 = arith.constant 0 : i32
    %dma_wait3A_545 = arith.constant 0 : i32
    %dma_wait3A_546 = tpu.memref_slice %arg9[%dma_wait3A_544, %dma_wait3A_545] : memref<10240x64xbf16, #tpu.memory_space<vmem_shared>> -> memref<10240x64xbf16, #tpu.memory_space<vmem_shared>>
    %dma_wait3A_547 = tpu.memref_slice %arg11[%dma_wait3A_536] : memref<8x!tpu.dma_semaphore, #tpu.memory_space<semaphore_mem>> -> memref<1x!tpu.dma_semaphore, #tpu.memory_space<semaphore_mem>>
    %dma_wait3A_548 = tpu.memref_squeeze %dma_wait3A_547 : memref<1x!tpu.dma_semaphore, #tpu.memory_space<semaphore_mem>> -> memref<!tpu.dma_semaphore, #tpu.memory_space<semaphore_mem>>
    tpu.wait_indirect_dma semaphore(%dma_wait3A_548 : memref<!tpu.dma_semaphore, #tpu.memory_space<semaphore_mem>>) src(%dma_wait3A_540 : memref<100x64xbf16, #tpu.memory_space<vmem>>) dst(%dma_wait3A_546 : memref<10240x64xbf16, #tpu.memory_space<vmem_shared>>)
    %dma_wait3A_549 = arith.constant 7 : i32
    %dma_wait3A_550 = arith.constant 199 : i32
    %dma_wait3A_551 = arith.constant 7 : i32
    %dma_wait3A_552 = arith.constant 0 : i32
    %dma_wait3A_553 = arith.constant 0 : i32
    %dma_wait3A_554 = tpu.memref_slice %arg7[%dma_wait3A_549, %dma_wait3A_552, %dma_wait3A_553] : memref<8x100x64xbf16, #tpu.memory_space<vmem>> -> memref<1x100x64xbf16, #tpu.memory_space<vmem>>
    %dma_wait3A_555 = tpu.memref_squeeze %dma_wait3A_554 : memref<1x100x64xbf16, #tpu.memory_space<vmem>> -> memref<100x64xbf16, #tpu.memory_space<vmem>>
    %dma_wait3A_556 = arith.constant 0 : i32
    %dma_wait3A_557 = tpu.memref_slice %arg6[%dma_wait3A_550, %dma_wait3A_556] : memref<200x100xi32, #tpu.memory_space<vmem>> -> memref<1x100xi32, #tpu.memory_space<vmem>>
    %dma_wait3A_558 = tpu.memref_squeeze %dma_wait3A_557 : memref<1x100xi32, #tpu.memory_space<vmem>> -> memref<100xi32, #tpu.memory_space<vmem>>
    %dma_wait3A_559 = arith.constant 0 : i32
    %dma_wait3A_560 = arith.constant 0 : i32
    %dma_wait3A_561 = tpu.memref_slice %arg9[%dma_wait3A_559, %dma_wait3A_560] : memref<10240x64xbf16, #tpu.memory_space<vmem_shared>> -> memref<10240x64xbf16, #tpu.memory_space<vmem_shared>>
    %dma_wait3A_562 = tpu.memref_slice %arg11[%dma_wait3A_551] : memref<8x!tpu.dma_semaphore, #tpu.memory_space<semaphore_mem>> -> memref<1x!tpu.dma_semaphore, #tpu.memory_space<semaphore_mem>>
    %dma_wait3A_563 = tpu.memref_squeeze %dma_wait3A_562 : memref<1x!tpu.dma_semaphore, #tpu.memory_space<semaphore_mem>> -> memref<!tpu.dma_semaphore, #tpu.memory_space<semaphore_mem>>
    tpu.wait_indirect_dma semaphore(%dma_wait3A_563 : memref<!tpu.dma_semaphore, #tpu.memory_space<semaphore_mem>>) src(%dma_wait3A_555 : memref<100x64xbf16, #tpu.memory_space<vmem>>) dst(%dma_wait3A_561 : memref<10240x64xbf16, #tpu.memory_space<vmem_shared>>)
    %barrier3A_564 = arith.constant 0 : index
    tpu.barrier barrier_id(%barrier3A_564)
    %mul3A = arith.constant 640 : i32
    %mul3A_565 = arith.muli %arg1, %mul3A : i32
    %mul3A_566 = arith.constant 640 : i32
    %mul3A_567 = arith.muli %arg1, %mul3A_566 : i32
    "tpu.region"() ({
      %run_scoped3A = tpu.sem_alloc : memref<!tpu.dma_semaphore, #tpu.memory_space<semaphore_mem>>
      %dma_start3A_568 = arith.constant 0 : i32
      %dma_start3A_569 = arith.constant 0 : i32
      %dma_start3A_570 = tpu.memref_slice %arg4[%arg0, %dma_start3A_568, %dma_start3A_569] : memref<2x10240x64xbf16, #tpu.memory_space<hbm>> -> memref<1x10240x64xbf16, #tpu.memory_space<hbm>>
      %dma_start3A_571 = tpu.memref_squeeze %dma_start3A_570 : memref<1x10240x64xbf16, #tpu.memory_space<hbm>> -> memref<10240x64xbf16, #tpu.memory_space<hbm>>
      %dma_start3A_572 = arith.constant 0 : i32
      %dma_start3A_573 = tpu.memref_slice %dma_start3A_571[%mul3A_567, %dma_start3A_572] : memref<10240x64xbf16, #tpu.memory_space<hbm>> -> memref<640x64xbf16, #tpu.memory_space<hbm>>
      %dma_start3A_574 = arith.constant 0 : i32
      %dma_start3A_575 = tpu.memref_slice %arg9[%mul3A_565, %dma_start3A_574] : memref<10240x64xbf16, #tpu.memory_space<vmem_shared>> -> memref<640x64xbf16, #tpu.memory_space<vmem_shared>>
      tpu.enqueue_dma source(%dma_start3A_575 : memref<640x64xbf16, #tpu.memory_space<vmem_shared>>) target(%dma_start3A_573 : memref<640x64xbf16, #tpu.memory_space<hbm>>) target_semaphore(%run_scoped3A : memref<!tpu.dma_semaphore, #tpu.memory_space<semaphore_mem>>)
      %dma_wait3A_576 = arith.constant 0 : i32
      %dma_wait3A_577 = arith.constant 0 : i32
      %dma_wait3A_578 = tpu.memref_slice %arg4[%arg0, %dma_wait3A_576, %dma_wait3A_577] : memref<2x10240x64xbf16, #tpu.memory_space<hbm>> -> memref<1x10240x64xbf16, #tpu.memory_space<hbm>>
      %dma_wait3A_579 = tpu.memref_squeeze %dma_wait3A_578 : memref<1x10240x64xbf16, #tpu.memory_space<hbm>> -> memref<10240x64xbf16, #tpu.memory_space<hbm>>
      %dma_wait3A_580 = arith.constant 0 : i32
      %dma_wait3A_581 = tpu.memref_slice %dma_wait3A_579[%mul3A_567, %dma_wait3A_580] : memref<10240x64xbf16, #tpu.memory_space<hbm>> -> memref<640x64xbf16, #tpu.memory_space<hbm>>
      %dma_wait3A_582 = arith.constant 0 : i32
      %dma_wait3A_583 = tpu.memref_slice %arg9[%mul3A_565, %dma_wait3A_582] : memref<10240x64xbf16, #tpu.memory_space<vmem_shared>> -> memref<640x64xbf16, #tpu.memory_space<vmem_shared>>
      tpu.wait_dma2 semaphore(%run_scoped3A : memref<!tpu.dma_semaphore, #tpu.memory_space<semaphore_mem>>) src(%dma_wait3A_583 : memref<640x64xbf16, #tpu.memory_space<vmem_shared>>) dst(%dma_wait3A_581 : memref<640x64xbf16, #tpu.memory_space<hbm>>)
      tpu.yield
    }) : () -> ()
    return
  }
}

</mosaic_0001>

<sc_bundles>
// kernel: _sc_agg.3.cloned.1.call-start
scs
__scs_entry_jumppad:
0x0: {  	(pc) =	sbr.rel $0x88, $3  }
0x1: {  	(tag) =	ssettag $0x0;
	lr =	simm.s32 $0x1  }
0x2: {  	[smem:$0x3F9F] =	sst lr;
	_ =	strace $0xD0000000  }
0x3: {  	_ = 	snop  }
0x4: {  	_ = 	snop  }
0x5: {  	_ = 	snop  }
0x6: {  	_ = 	snop  }
0x7: {  	_ = 	snop  }
__scs_overlays_trampoline_lowered:
0x8: {  	[smem:$0x3FAE] =	sst s0  }
0x9: {  	[smem:$0x3FAF] =	sst s1  }
0xa: {  	[smem:$0x3FB0] =	sst s2  }
0xb: {  	[smem:$0x3FB1] =	sst s3  }
0xc: {  	[smem:$0x3FB2] =	sst s4  }
0xd: {  	[smem:$0x3FB3] =	sst s5  }
0xe: {  	[smem:$0x3FB4] =	sst s6  }
0xf: {  	[smem:$0x3FB5] =	sst s7  }
0x10: {  	[smem:$0x3FB6] =	sst s8  }
0x11: {  	[smem:$0x3FB7] =	sst s9;
	s0 =	simm.s32 @!p0 $0x0  }
0x12: {  	s1 =	sld [smem:$0x3F9D];
	s0 =	simm.s32 @p0 $0x1  }
0x13: {  	[smem:$0x3FB8] =	sst s0;
	s0 =	simm.s32 @!p1 $0x0  }
0x14: {  	s2 =	sld [smem:$0x3F9C];
	s0 =	simm.s32 @p1 $0x1  }
0x15: {  	[smem:$0x3FB9] =	sst s0;
	s0 =	simm.s32 @!p2 $0x0  }
0x16: {  	s3 =	sld [smem:$0x3FDB];
	s0 =	simm.s32 @p2 $0x1  }
0x17: {  	s4 =	simm.s32 $0x1BF5;
	[smem:$0x3FBB] =	sst s0  }
0x18: {  	s0 =	sld [smem:$0x3F9E];
	_ =	swait.ge [sflag:s4], $0x0  }
0x19: {  	s7 =	sld [smem:$0x3F9F]  }
0x1a: {  	s8 =	sadd.s32 $0xFFFFE003, lr  }
0x1b: {  	s9 =	sadd.s32 $0xFFFFFEF7, lr;
	s5 =	simm.s32 $0xFFFFFFFF;
	p2 =	slt.u32 s8, $0xFFFFF086  }
0x1c: {  	p1 =	slt.u32 s9, $0xF7A;
	s5 =	simm.s32 @!p2 $0x0  }
0x1d: {  	s5 =	simm.s32 @p1 $0x1;
	p0 =	seq.s32 s7, s2  }
0x1e: {  	s7 =	smul.u32 @!p0 $0xF7A, s2;
	p2 =	seq.s32 @!p0 s5, $0x0  }
0x1f: {  	s9 =	smul.u32 $0xF7A, s1;
	s8 =	simm.s32 @!p0 $0x1BF5;
	p2 =	por !p2, p0  }
0x20: {  	[sflag:s8] =	ssyncset.s32 @!p0 $0xFFFFF086;
	s6 =	sadd.s32 @!p0 s3, s7;
	s7 =	simm.s32 @!p0 $0x108  }
0x21: {  	s3 =	sadd.s32 s3, s9;
	s6 =	sadd.s32 @!p0 $0x88, s6;
	s7 =	simm.s32 @p2 $0x1082  }
0x22: {  	[simem:s7], [sflag:s8] =	dma.local @!p0 [hbm:s6], $0xF7A  }
0x23: {  	s9 =	sor.u32 $0xD0000000, s2;
	s6 =	simm.s32 $0x108;
	_ =	swait.ge @!p0 [sflag:s8], $0x0  }
0x24: {  	s3 =	sadd.s32 $0x88, s3;
	s6 =	simm.s32 @!p1 $0x1082;
	[sflag:s4] =	ssyncset.s32 $0xFFFFF086  }
0x25: {  	[simem:s6], [sflag:s4] =	dma.local [hbm:s3], $0xF7A  }
0x26: {  	[smem:$0x3F9F] =	sst s1;
	(tag) =	ssettag s2;
	_ =	strace s9  }
0x27: {  	s1 =	sld [smem:$0x3FAF]  }
0x28: {  	s2 =	sld [smem:$0x3FB0]  }
0x29: {  	s4 =	sld [smem:$0x3FB2]  }
0x2a: {  	p0 =	seq.s32 s5, $0x0;
	s5 =	sld [smem:$0x3FB3]  }
0x2b: {  	s6 =	sld [smem:$0x3FB4]  }
0x2c: {  	s7 =	sld [smem:$0x3FB5]  }
0x2d: {  	s3 =	simm.s32 $0x108;
	s8 =	sld [smem:$0x3FB6]  }
0x2e: {  	s3 =	simm.s32 @!p0 $0x1082;
	s9 =	sld [smem:$0x3FB7]  }
0x2f: {  	lr =	sadd.s32 s0, s3;
	s0 =	sld [smem:$0x3FAE]  }
0x30: {  	s3 =	sld [smem:$0x3FB1]  }
0x31: {  	[smem:$0x3FBA] =	sst s10  }
0x32: {  	s10 =	sld [smem:$0x3FB8];
	_ =	sdelay $0x3  }
0x33: {  	p0 =	seq.s32 s10, $0x1;
	s10 =	sld [smem:$0x3FBA];
	_ =	sdelay $0x3  }
0x34: {  	[smem:$0x3FBA] =	sst s10  }
0x35: {  	s10 =	sld [smem:$0x3FB9];
	_ =	sdelay $0x3  }
0x36: {  	p1 =	seq.s32 s10, $0x1;
	s10 =	sld [smem:$0x3FBA];
	_ =	sdelay $0x3  }
0x37: {  	[smem:$0x3FBA] =	sst s10  }
0x38: {  	s10 =	sld [smem:$0x3FBB]  }
0x39: {  	_ = 	snop;
	(pc) =	sbr.ind lr, $3  }
0x3a: {  	_ = 	snop  }
0x3b: {  	_ = 	snop  }
0x3c: {  	p2 =	seq.s32 s10, $0x1;
	s10 =	sld [smem:$0x3FBA]  }
0x3d: {  	_ =	shalt  }
0x3e: {  	_ =	shalt  }
0x3f: {  	_ =	shalt  }
0x40: {  	_ =	shalt  }
0x41: {  	_ =	shalt  }
0x42: {  	_ =	shalt  }
0x43: {  	_ =	shalt  }
0x44: {  	_ =	shalt  }
0x45: {  	_ =	shalt  }
0x46: {  	_ =	shalt  }
0x47: {  	_ =	shalt  }
0x48: {  	_ =	shalt  }
0x49: {  	_ =	shalt  }
0x4a: {  	_ =	shalt  }
0x4b: {  	_ =	shalt  }
0x4c: {  	_ =	shalt  }
0x4d: {  	_ =	shalt  }
0x4e: {  	_ =	shalt  }
0x4f: {  	_ =	shalt  }
0x50: {  	_ =	shalt  }
0x51: {  	_ =	shalt  }
0x52: {  	_ =	shalt  }
0x53: {  	_ =	shalt  }
0x54: {  	_ =	shalt  }
0x55: {  	_ =	shalt  }
0x56: {  	_ =	shalt  }
0x57: {  	_ =	shalt  }
0x58: {  	_ =	shalt  }
0x59: {  	_ =	shalt  }
0x5a: {  	_ =	shalt  }
0x5b: {  	_ =	shalt  }
0x5c: {  	_ =	shalt  }
0x5d: {  	_ =	shalt  }
0x5e: {  	_ =	shalt  }
0x5f: {  	_ =	shalt  }
0x60: {  	_ =	shalt  }
0x61: {  	_ =	shalt  }
0x62: {  	_ =	shalt  }
0x63: {  	_ =	shalt  }
0x64: {  	_ =	shalt  }
0x65: {  	_ =	shalt  }
0x66: {  	_ =	shalt  }
0x67: {  	_ =	shalt  }
0x68: {  	_ =	shalt  }
0x69: {  	_ =	shalt  }
0x6a: {  	_ =	shalt  }
0x6b: {  	_ =	shalt  }
0x6c: {  	_ =	shalt  }
0x6d: {  	_ =	shalt  }
0x6e: {  	_ =	shalt  }
0x6f: {  	_ =	shalt  }
0x70: {  	_ =	shalt  }
0x71: {  	_ =	shalt  }
0x72: {  	_ =	shalt  }
0x73: {  	_ =	shalt  }
0x74: {  	_ =	shalt  }
0x75: {  	_ =	shalt  }
0x76: {  	_ =	shalt  }
0x77: {  	_ =	shalt  }
0x78: {  	_ =	shalt  }
0x79: {  	_ =	shalt  }
0x7a: {  	_ =	shalt  }
0x7b: {  	_ =	shalt  }
0x7c: {  	_ =	shalt  }
0x7d: {  	_ =	shalt  }
0x7e: {  	_ =	shalt  }
0x7f: {  	_ =	shalt  }
0x80: {  	_ =	shalt  }
0x81: {  	_ =	shalt  }
0x82: {  	_ =	shalt  }
0x83: {  	_ =	shalt  }
0x84: {  	_ =	shalt  }
0x85: {  	_ =	shalt  }
0x86: {  	_ =	shalt  }
0x87: {  	_ =	shalt  }
.Lfunc_end0:
.L_simem_size_0:
called_computation_lowered:
.L_overlay_start_0:
0x88: {  	s2 =	sld [smem:$0x3FD9]  }
0x89: {  	s3 =	sld [smem:$0x3FFE];
	_ =	sdelay $0x1  }
0x8a: {  	s1 =	srdreg.scid  }
0x8b: {  	s0 =	sand.u32 $0x1, s1  }
0x8c: {  	s17 =	sshll.u32 s0, $0xA;
	s2 =	sadd.s32 s3, s2  }
0x8d: {  	s2 =	sadd.s32 s2, s17  }
0x8e: {  	[smem:$0x3FC6] =	sst s2  }
0x8f: {  	_ = 	snop  }
0x90: {  	s2 =	sld [smem:$0x3FD0];
	(tm) =	ssettm $0x1  }
0x91: {  	s18 =	sld [smem:$0x3FFB];
	_ =	sdelay $0x3  }
0x92: {  	_ =	strace s18  }
0x93: {  	s3 =	sld [smem:$0x3FFC];
	_ =	sdelay $0x3  }
0x94: {  	_ =	strace s3  }
0x95: {  	s3 =	sld [smem:$0x3FFD];
	_ =	sdelay $0x3  }
0x96: {  	_ =	strace s3  }
0x97: {  	_ =	strace $0x8FFFFFFF  }
0x98: {  	s19 =	sld [smem:$0x3FDB];
	_ =	sdelay $0x1  }
0x99: {  	s4 =	simm.s32 $_scs_section_size  }
0x9a: {  	s5 =	simm.s32 $_size__tile_overlayer_lowered;
	s6 =	simm.s32 $_tile_overlayer_lowered  }
0x9b: {  	s22 =	simm.s32 $0x1BFF;
	s21 =	sshll.u32 s6, $0x1;
	s3 =	sadd.s32 s4, s19  }
0x9c: {  	s7 =	simm.s32 $0x0;
	s20 =	sshll.u32 s5, $0x1;
	s5 =	sadd.s32 s21, s3  }
0x9d: {  	[timem:s7], [sflag:s22] =	dma.local [hbm:s5], s20  }
0x9e: {  	_ =	swait.ge [sflag:s22], s20  }
0x9f: {  	s4 =	ssub.s32 $0x0, s20;
	[sflag:s22] =	ssyncset.done $0x0  }
0xa0: {  	[sflag:s22] =	ssyncadd.s32 s4;
	_ =	sdelay $0x1  }
0xa1: {  	s23 =	simm.s32 $0x1B8B  }
0xa2: {  	_ =	swait.ge [sflag:s23], $0x1  }
0xa3: {  	[sflag:s23] =	ssyncset.done $0x0  }
0xa4: {  	s25 =	simm.s32 $0x1B8E;
	s24 =	sld [smem:$0x3FFE];
	[sflag:s23] =	ssyncadd.s32 $0xFFFFFFFF  }
0xa5: {  	s26 =	simm.s32 $execute0_lowered;
	[smem:$0x3FD2] =	sst s25  }
0xa6: {  	s5 =	sshll.u32 s26, $0x1;
	_ =	strace $0x80000046;
	[dreg:$0x1] =	wrdreg $0xFFFFFFFF  }
0xa7: {  	s28 =	simm.s32 $_size_execute0_lowered;
	s3 =	sadd.s32 s3, s5;
	[dreg:$0x0] =	wrdreg $0x0  }
0xa8: {  	s5 =	sshll.u32 s28, $0x1;
	[dreg:$0x2] =	wrdreg s3  }
0xa9: {  	[dreg:$0x3] =	wrdreg s5  }
0xaa: {  	[dreg:$0x4] =	wrdreg $0xC0  }
0xab: {  	_ =	task [dreg:s7], $0x5FFFF  }
0xac: {  	[dreg:$0x1] =	wrdreg $0xFFFFFFFF  }
0xad: {  	[dreg:$0x0] =	wrdreg $0x60  }
0xae: {  	[dreg:$0x2] =	wrdreg s24  }
0xaf: {  	[dreg:$0x3] =	wrdreg s2  }
0xb0: {  	[dreg:$0x4] =	wrdreg $0x116800  }
0xb1: {  	[dreg:$0x5] =	wrdreg $0x9  }
0xb2: {  	_ =	task.clear_ibuf [dreg:s7], $0x6FFFF;
	_ =	strace $0x90000046  }
0xb3: {  	s29 =	simm.s32 $0x9;
	_ =	strace $0x80000048  }
0xb4: {  	_ =	swait.ge [sflag:s29], $0x1  }
0xb5: {  	[sflag:s29] =	ssyncadd.s32 $0xFFFFFFFF  }
0xb6: {  	_ =	strace $0x90000048  }
0xb7: {  	_ =	sfence  }
0xb8: {  	s30 =	sld [smem:$0x0];
	_ =	sdelay $0x2  }
0xb9: {  	s31 =	sshll.u32 s1, $0xD;
	s1 =	sshrl.u32 s1, $0x2  }
0xba: {  	s3 =	sand.u32 $0x4000, s31;
	s1 =	sadd.s32 s1, s30  }
0xbb: {  	s0 =	sor.u32 s3, s0;
	s1 =	sshll.u32 s1, $0x11  }
0xbc: {  	s0 =	sor.u32 s1, s0  }
0xbd: {  	s0 =	sadd.s32 $0x8F2B, s0  }
0xbe: {  	[sflag:s0] =	ssyncadd.remote.s32 $0x1  }
0xbf: {  	_ =	sfence.sel $0xFFFF  }
0xc0: {  	[dreg:$0x0] =	wrdreg $0xFFFFFFFF;
	(pc) =	sbr.abs _section_cstart, $3  }
0xc1: {  	[dreg:$0x1] =	wrdreg $0xFFFFFFFF  }
0xc2: {  	_ =	task.clear_ibuf [dreg:s7], $0x2FFFF;
	_ =	strace $0x9FFFFFFF  }
0xc3: {  	(tm) =	ssettm $0x7FFFFFFF  }
tec
execute0_lowered:
.L_overlay_start_1:
0x0: {  	(tag) =	ssettag $0x1  }
0x1: {  	s0 =	rddreg [dreg:$0x0]  }
0x2: {  	s2 =	rddreg [dreg:$0x1]  }
0x3: {  	s1 =	rddreg [dreg:$0x2];
	s3 =	srdreg.scid;
	s4 =	simm.s32 $0x0  }
0x4: {  	s9 =	stileid.u32;
	s21 =	simm.s32 $0xBB80;
	s28 =	simm.s32 $0xD480  }
0x5: {  	s30 =	simm.s32 $0xE100;
	s29 =	simm.s32 $0x4;
	s6 =	smul.u32 $0x14000, s9  }
0x6: {  	s31 =	simm.s32 $0x5;
	s11 =	simm.s32 $0xE;
	s8 =	smul.u32 $0x5140, s9  }
0x7: {  	s12 =	simm.s32 $0xF;
	s13 =	simm.s32 $0x0;
	s16 =	smul.u32 $0xA28, s9  }
0x8: {  	s3 =	sand.u32 $0x1, s3;
	[smem:$0x7FF] =	sst s4;
	s18 =	smul.u32 $0xA000, s9  }
0x9: {  	s9 =	simm.s32 $0xC;
	s15 =	smul.u32 $0x9C40, s3;
	s5 =	ssub.s32 $0x2, s3  }
0xa: {  	_ =	strace $0x80000047;
	s3 =	smul.u32 $0xA000, s3;
	s7 =	sshrl.u32 s5, $0x1  }
0xb: {  	s6 =	sshrl.u32 s6, $0x2;
	s17 =	sshrl.u32 s8, $0x3;
	s19 =	sshrl.u32 s18, $0x1  }
0xc: {  	s20 =	sshrl.u32 s18, $0x4;
	s18 =	simm.s32 $0xFA00;
	s8 =	simm.s32 $0xB  }
0xd: {  	s4 =	sadd.s32 s15, s0;
	s0 =	sadd.s32 $0x14000, s0;
	s5 =	ssub.s32 s5, s7  }
0xe: {  	s10 =	sadd.s32 s6, s1;
	s2 =	sadd.s32 s2, s3;
	s15 =	simm.s32 $0x6  }
0xf: {  	s3 =	simm.s32 $0x7;
	s6 =	simm.s32 $0xA;
	s7 =	sadd.s32 s0, s16  }
0x10: {  	s0 =	sadd.s32 s0, s17;
	s22 =	smax.u32 s5, $0x1;
	[dreg:$0x4] =	wrdreg s10  }
0x11: {  	s23 =	sadd.s32 $0x1000, s10;
	s24 =	sadd.s32 $0x2000, s10;
	[dreg:$0x5] =	wrdreg s7  }
0x12: {  	s25 =	sadd.s32 $0x3000, s10;
	s26 =	sadd.s32 $0x4000, s10;
	[dreg:$0x7] =	wrdreg s22  }
0x13: {  	s16 =	simm.s32 $0x64;
	s17 =	simm.s32 $0xA280;
	[dreg:$0x8] =	wrdreg s23  }
0x14: {  	s2 =	sadd.s32 s20, s2;
	s20 =	simm.s32 $0x1;
	[dreg:$0x9] =	wrdreg s24  }
0x15: {  	s5 =	simm.s32 $0x9;
	s10 =	simm.s32 $0xD;
	[dreg:$0xa] =	wrdreg s25  }
0x16: {  	s0 =	sadd.s32 $0xA280, s0;
	s7 =	sadd.s32 $0x600, s4;
	[dreg:$0xb] =	wrdreg s26  }
0x17: {  	[dreg:$0xc] =	wrdreg s2;
	s24 =	simm.s32 $0xC800;
	s22 =	simm.s32 $0x2  }
0x18: {  	s26 =	simm.s32 $0x3;
	[dreg:$0x6] =	wrdreg s0;
	s0 =	sadd.s32 s19, s1  }
0x19: {  	s2 =	simm.s32 $0x8;
	s23 =	simm.s32 $0x10;
	s0 =	sshrl.u32 s0, $0x3  }
0x1a: {  	v0 =	vimm.bf16 $0.0e+00;
	s19 =	simm.s32 $0xAF00;
	[dreg:$0xd] =	wrdreg s0;
	s0 =	simm.s32 $0xED80  }
.LBB2_1:
0x1b: {  	s25 =	simm.s32 $0x0  }
0x1c: {  	[dreg:$0xe] =	wrdreg s13;
	s4 =	sand.u32 $0x3F80, s25;
	s13 =	sand.u32 $0x20, s25  }
0x1d: {  	s4 =	sshrl.u32 s4, $0x2;
	s13 =	sshrl.u32 s13, $0x1  }
0x1e: {  	s13 =	sor.u32 s13, s4  }
0x1f: {  	s4 =	simm.s32 $0x40;
	[tilespmem:s13+$0x10680] =	vst v0;
	s13 =	simm.s32 $0x0  }
.LBB2_2:
0x20: {  	p0 =	sne.s32 s4, $0x3FC0  }
.Ltmp0:
0x21: {  	s25 =	sand.u32 $0x3F80, s4;
	s13 =	sadd.s32 $0x20, s13;
	(pc) =	sbr.rel @p0 .LBB2_2-.Ltmp0, $4  }
0x22: {  	s4 =	sadd.s32 $0x40, s4;
	s14 =	sand.u32 $0x20, s13  }
0x23: {  	s25 =	sshrl.u32 s25, $0x2;
	s14 =	sshrl.u32 s14, $0x1  }
0x24: {  	s14 =	sor.u32 s14, s25  }
0x25: {  	[tilespmem:s14+$0x10680] =	vst v0  }
0x26: {  	s4 =	rddreg [dreg:$0x4];
	s13 =	simm.s32 $0x10680;
	s25 =	simm.s32 $0x11  }
0x27: {  	[spmem:s4] =	stream.linear.scatter [tilespmem:s13], [sflag:$0x11], $0x1000, $0x38;
	[tilespmem:$0x16680] =	vst v63  }
0x28: {  	_ =	swait.ge [sflag:s25], $0x1000  }
0x29: {  	[sflag:s25] =	ssyncset.done $0x0  }
0x2a: {  	s14 =	rddreg [dreg:$0x8];
	[sflag:s25] =	ssyncadd.s32 $0xFFFFF000  }
0x2b: {  	[spmem:s14] =	stream.linear.scatter [tilespmem:s13], [sflag:$0x11], $0x1000, $0x38;
	[tilespmem:$0x16680] =	vst v63  }
0x2c: {  	_ =	swait.ge [sflag:s25], $0x1000  }
0x2d: {  	[sflag:s25] =	ssyncset.done $0x0  }
0x2e: {  	s14 =	rddreg [dreg:$0x9];
	[sflag:s25] =	ssyncadd.s32 $0xFFFFF000  }
0x2f: {  	[spmem:s14] =	stream.linear.scatter [tilespmem:s13], [sflag:$0x11], $0x1000, $0x38;
	[tilespmem:$0x16680] =	vst v63  }
0x30: {  	_ =	swait.ge [sflag:s25], $0x1000  }
0x31: {  	[sflag:s25] =	ssyncset.done $0x0  }
0x32: {  	s14 =	rddreg [dreg:$0xa];
	[sflag:s25] =	ssyncadd.s32 $0xFFFFF000  }
0x33: {  	[spmem:s14] =	stream.linear.scatter [tilespmem:s13], [sflag:$0x11], $0x1000, $0x38;
	[tilespmem:$0x16680] =	vst v63  }
0x34: {  	_ =	swait.ge [sflag:s25], $0x1000  }
0x35: {  	[sflag:s25] =	ssyncset.done $0x0  }
0x36: {  	s14 =	rddreg [dreg:$0xb];
	[sflag:s25] =	ssyncadd.s32 $0xFFFFF000  }
0x37: {  	[spmem:s14] =	stream.linear.scatter [tilespmem:s13], [sflag:$0x11], $0x1000, $0x38;
	[tilespmem:$0x16680] =	vst v63  }
0x38: {  	_ =	swait.ge [sflag:s25], $0x1000  }
0x39: {  	[sflag:s25] =	ssyncset.done $0x0  }
0x3a: {  	s4 =	simm.s32 $0x0;
	s14 =	rddreg [dreg:$0x5];
	[sflag:s25] =	ssyncadd.s32 $0xFFFFF000  }
0x3b: {  	[tilespmem:s4], [sflag:$0x11] =	stream.linear.gather [hbm4b:s14+s4], $0x5140, $0x38;
	[tilespmem:$0x16680] =	vst v63  }
0x3c: {  	_ =	swait.ge [sflag:s25], $0x5140  }
0x3d: {  	[sflag:s25] =	ssyncset.done $0x0  }
0x3e: {  	s14 =	simm.s32 $0x5140;
	s13 =	rddreg [dreg:$0x6];
	[sflag:s25] =	ssyncadd.s32 $0xFFFFAEC0  }
0x3f: {  	[tilespmem:s14], [sflag:$0x11] =	stream.linear.gather [hbm4b:s13+s4], $0x5140, $0x38;
	[tilespmem:$0x16680] =	vst v63  }
0x40: {  	_ =	swait.ge [sflag:s25], $0x5140  }
0x41: {  	[sflag:s25] =	ssyncset.done $0x0  }
0x42: {  	[sflag:s25] =	ssyncadd.s32 $0xFFFFAEC0  }
0x43: {  	[bflag:$0x0] =	sbarrier.arrive $0xFFFF  }
0x44: {  	[tilespmem:s17], [sflag:$0x1] =	stream.indirect.gather [hbm4b:s7+s16], $0x20, s4, s16, $0xb8;
	[tilespmem:$0x16680] =	vst v63  }
0x45: {  	s13 =	simm.s32 $0x68  }
0x46: {  	[tilespmem:s19], [sflag:$0x2] =	stream.indirect.gather [hbm4b:s7+s16], $0x20, s13, s16, $0xb8;
	[tilespmem:$0x16680] =	vst v63  }
0x47: {  	s14 =	simm.s32 $0xD0  }
0x48: {  	[tilespmem:s21], [sflag:$0x3] =	stream.indirect.gather [hbm4b:s7+s16], $0x20, s14, s16, $0xb8;
	[tilespmem:$0x16680] =	vst v63  }
0x49: {  	s13 =	simm.s32 $0x138  }
0x4a: {  	[tilespmem:s24], [sflag:$0x4] =	stream.indirect.gather [hbm4b:s7+s16], $0x20, s13, s16, $0xb8;
	[tilespmem:$0x16680] =	vst v63  }
0x4b: {  	s14 =	simm.s32 $0x1A0  }
0x4c: {  	[tilespmem:s28], [sflag:$0x5] =	stream.indirect.gather [hbm4b:s7+s16], $0x20, s14, s16, $0xb8;
	[tilespmem:$0x16680] =	vst v63  }
0x4d: {  	s13 =	simm.s32 $0x208  }
0x4e: {  	[tilespmem:s30], [sflag:$0x6] =	stream.indirect.gather [hbm4b:s7+s16], $0x20, s13, s16, $0xb8;
	[tilespmem:$0x16680] =	vst v63  }
0x4f: {  	s14 =	simm.s32 $0x270  }
0x50: {  	[tilespmem:s0], [sflag:$0x7] =	stream.indirect.gather [hbm4b:s7+s16], $0x20, s14, s16, $0xb8;
	[tilespmem:$0x16680] =	vst v63  }
0x51: {  	s13 =	simm.s32 $0x2D8  }
0x52: {  	[tilespmem:s18], [sflag:$0x8] =	stream.indirect.gather [hbm4b:s7+s16], $0x20, s13, s16, $0xb8;
	[tilespmem:$0x16680] =	vst v63  }
0x53: {  	_ =	swait.ge [sflag:s20], $0xC80  }
0x54: {  	[sflag:s20] =	ssyncset.done $0x0  }
0x55: {  	s14 =	simm.s32 $0x5140;
	[sflag:s20] =	ssyncadd.s32 $0xFFFFF380  }
0x56: {  	[spmem:s1] =	stream.indirect.scatter.add.bf16 [tilespmem:s17], [sflag:$0x9], $0x20, s14, s16, $0xb8;
	[tilespmem:$0x16680] =	vst v63  }
0x57: {  	_ =	swait.ge [sflag:s22], $0xC80  }
0x58: {  	[sflag:s22] =	ssyncset.done $0x0  }
0x59: {  	s13 =	simm.s32 $0x51A8;
	[sflag:s22] =	ssyncadd.s32 $0xFFFFF380  }
0x5a: {  	[spmem:s1] =	stream.indirect.scatter.add.bf16 [tilespmem:s19], [sflag:$0xA], $0x20, s13, s16, $0xb8;
	[tilespmem:$0x16680] =	vst v63  }
0x5b: {  	_ =	swait.ge [sflag:s26], $0xC80  }
0x5c: {  	[sflag:s26] =	ssyncset.done $0x0  }
0x5d: {  	s14 =	simm.s32 $0x5210;
	[sflag:s26] =	ssyncadd.s32 $0xFFFFF380  }
0x5e: {  	[spmem:s1] =	stream.indirect.scatter.add.bf16 [tilespmem:s21], [sflag:$0xB], $0x20, s14, s16, $0xb8;
	[tilespmem:$0x16680] =	vst v63  }
0x5f: {  	_ =	swait.ge [sflag:s29], $0xC80  }
0x60: {  	[sflag:s29] =	ssyncset.done $0x0  }
0x61: {  	s13 =	simm.s32 $0x5278;
	[sflag:s29] =	ssyncadd.s32 $0xFFFFF380  }
0x62: {  	[spmem:s1] =	stream.indirect.scatter.add.bf16 [tilespmem:s24], [sflag:$0xC], $0x20, s13, s16, $0xb8;
	[tilespmem:$0x16680] =	vst v63  }
0x63: {  	_ =	swait.ge [sflag:s31], $0xC80  }
0x64: {  	[sflag:s31] =	ssyncset.done $0x0  }
0x65: {  	s14 =	simm.s32 $0x52E0;
	[sflag:s31] =	ssyncadd.s32 $0xFFFFF380  }
0x66: {  	[spmem:s1] =	stream.indirect.scatter.add.bf16 [tilespmem:s28], [sflag:$0xD], $0x20, s14, s16, $0xb8;
	[tilespmem:$0x16680] =	vst v63  }
0x67: {  	_ =	swait.ge [sflag:s15], $0xC80  }
0x68: {  	[sflag:s15] =	ssyncset.done $0x0  }
0x69: {  	s13 =	simm.s32 $0x5348;
	[sflag:s15] =	ssyncadd.s32 $0xFFFFF380  }
0x6a: {  	[spmem:s1] =	stream.indirect.scatter.add.bf16 [tilespmem:s30], [sflag:$0xE], $0x20, s13, s16, $0xb8;
	[tilespmem:$0x16680] =	vst v63  }
0x6b: {  	_ =	swait.ge [sflag:s3], $0xC80  }
0x6c: {  	[sflag:s3] =	ssyncset.done $0x0  }
0x6d: {  	s14 =	simm.s32 $0x53B0;
	[sflag:s3] =	ssyncadd.s32 $0xFFFFF380  }
0x6e: {  	[spmem:s1] =	stream.indirect.scatter.add.bf16 [tilespmem:s0], [sflag:$0xF], $0x20, s14, s16, $0xb8;
	[tilespmem:$0x16680] =	vst v63  }
0x6f: {  	_ =	swait.ge [sflag:s2], $0xC80  }
0x70: {  	[sflag:s2] =	ssyncset.done $0x0  }
0x71: {  	s13 =	simm.s32 $0x5418;
	[sflag:s2] =	ssyncadd.s32 $0xFFFFF380  }
0x72: {  	[spmem:s1] =	stream.indirect.scatter.add.bf16 [tilespmem:s18], [sflag:$0x10], $0x20, s13, s16, $0xb8;
	[tilespmem:$0x16680] =	vst v63  }
0x73: {  	_ =	swait.ge [sflag:s5], $0xC80  }
0x74: {  	[sflag:s5] =	ssyncset.done $0x0  }
0x75: {  	s14 =	simm.s32 $0x340;
	[sflag:s5] =	ssyncadd.s32 $0xFFFFF380  }
0x76: {  	[tilespmem:s17], [sflag:$0x1] =	stream.indirect.gather [hbm4b:s7+s16], $0x20, s14, s16, $0xb8;
	[tilespmem:$0x16680] =	vst v63  }
0x77: {  	_ =	swait.ge [sflag:s6], $0xC80  }
0x78: {  	[sflag:s6] =	ssyncset.done $0x0  }
0x79: {  	s13 =	simm.s32 $0x3A8;
	[sflag:s6] =	ssyncadd.s32 $0xFFFFF380  }
0x7a: {  	[tilespmem:s19], [sflag:$0x2] =	stream.indirect.gather [hbm4b:s7+s16], $0x20, s13, s16, $0xb8;
	[tilespmem:$0x16680] =	vst v63  }
0x7b: {  	_ =	swait.ge [sflag:s8], $0xC80  }
0x7c: {  	[sflag:s8] =	ssyncset.done $0x0  }
0x7d: {  	s14 =	simm.s32 $0x410;
	[sflag:s8] =	ssyncadd.s32 $0xFFFFF380  }
0x7e: {  	[tilespmem:s21], [sflag:$0x3] =	stream.indirect.gather [hbm4b:s7+s16], $0x20, s14, s16, $0xb8;
	[tilespmem:$0x16680] =	vst v63  }
0x7f: {  	_ =	swait.ge [sflag:s9], $0xC80  }
0x80: {  	[sflag:s9] =	ssyncset.done $0x0  }
0x81: {  	s13 =	simm.s32 $0x478;
	[sflag:s9] =	ssyncadd.s32 $0xFFFFF380  }
0x82: {  	[tilespmem:s24], [sflag:$0x4] =	stream.indirect.gather [hbm4b:s7+s16], $0x20, s13, s16, $0xb8;
	[tilespmem:$0x16680] =	vst v63  }
0x83: {  	_ =	swait.ge [sflag:s10], $0xC80  }
0x84: {  	[sflag:s10] =	ssyncset.done $0x0  }
0x85: {  	s14 =	simm.s32 $0x4E0;
	[sflag:s10] =	ssyncadd.s32 $0xFFFFF380  }
0x86: {  	[tilespmem:s28], [sflag:$0x5] =	stream.indirect.gather [hbm4b:s7+s16], $0x20, s14, s16, $0xb8;
	[tilespmem:$0x16680] =	vst v63  }
0x87: {  	_ =	swait.ge [sflag:s11], $0xC80  }
0x88: {  	[sflag:s11] =	ssyncset.done $0x0  }
0x89: {  	s13 =	simm.s32 $0x548;
	[sflag:s11] =	ssyncadd.s32 $0xFFFFF380  }
0x8a: {  	[tilespmem:s30], [sflag:$0x6] =	stream.indirect.gather [hbm4b:s7+s16], $0x20, s13, s16, $0xb8;
	[tilespmem:$0x16680] =	vst v63  }
0x8b: {  	_ =	swait.ge [sflag:s12], $0xC80  }
0x8c: {  	[sflag:s12] =	ssyncset.done $0x0  }
0x8d: {  	s14 =	simm.s32 $0x5B0;
	[sflag:s12] =	ssyncadd.s32 $0xFFFFF380  }
0x8e: {  	[tilespmem:s0], [sflag:$0x7] =	stream.indirect.gather [hbm4b:s7+s16], $0x20, s14, s16, $0xb8;
	[tilespmem:$0x16680] =	vst v63  }
0x8f: {  	_ =	swait.ge [sflag:s23], $0xC80  }
0x90: {  	[sflag:s23] =	ssyncset.done $0x0  }
0x91: {  	s4 =	simm.s32 $0xD00;
	s13 =	simm.s32 $0x618;
	[sflag:s23] =	ssyncadd.s32 $0xFFFFF380  }
.LBB2_4:
0x92: {  	[tilespmem:s18], [sflag:$0x8] =	stream.indirect.gather [hbm4b:s7+s16], $0x20, s13, s16, $0xb8;
	[tilespmem:$0x16680] =	vst v63  }
0x93: {  	s13 =	smov.u32 s4  }
0x94: {  	p0 =	sne.s32 s4, $0x12B00;
	s4 =	sadd.s32 $0xD00, s4;
	_ =	swait.ge [sflag:s20], $0xC80  }
0x95: {  	s13 =	sshra.s32 s13, $0x2;
	[sflag:s20] =	ssyncset.done $0x0  }
0x96: {  	s14 =	sadd.s32 $0x5140, s13;
	[sflag:s20] =	ssyncadd.s32 $0xFFFFF380  }
0x97: {  	[spmem:s1] =	stream.indirect.scatter.add.bf16 [tilespmem:s17], [sflag:$0x9], $0x20, s14, s16, $0xb8;
	[tilespmem:$0x16680] =	vst v63  }
0x98: {  	_ =	swait.ge [sflag:s22], $0xC80  }
0x99: {  	[sflag:s22] =	ssyncset.done $0x0  }
0x9a: {  	s14 =	sadd.s32 $0x51A8, s13;
	[sflag:s22] =	ssyncadd.s32 $0xFFFFF380  }
0x9b: {  	[spmem:s1] =	stream.indirect.scatter.add.bf16 [tilespmem:s19], [sflag:$0xA], $0x20, s14, s16, $0xb8;
	[tilespmem:$0x16680] =	vst v63  }
0x9c: {  	_ =	swait.ge [sflag:s26], $0xC80  }
0x9d: {  	[sflag:s26] =	ssyncset.done $0x0  }
0x9e: {  	s14 =	sadd.s32 $0x5210, s13;
	[sflag:s26] =	ssyncadd.s32 $0xFFFFF380  }
0x9f: {  	[spmem:s1] =	stream.indirect.scatter.add.bf16 [tilespmem:s21], [sflag:$0xB], $0x20, s14, s16, $0xb8;
	[tilespmem:$0x16680] =	vst v63  }
0xa0: {  	_ =	swait.ge [sflag:s29], $0xC80  }
0xa1: {  	[sflag:s29] =	ssyncset.done $0x0  }
0xa2: {  	s14 =	sadd.s32 $0x5278, s13;
	[sflag:s29] =	ssyncadd.s32 $0xFFFFF380  }
0xa3: {  	[spmem:s1] =	stream.indirect.scatter.add.bf16 [tilespmem:s24], [sflag:$0xC], $0x20, s14, s16, $0xb8;
	[tilespmem:$0x16680] =	vst v63  }
0xa4: {  	_ =	swait.ge [sflag:s31], $0xC80  }
0xa5: {  	[sflag:s31] =	ssyncset.done $0x0  }
0xa6: {  	s14 =	sadd.s32 $0x52E0, s13;
	[sflag:s31] =	ssyncadd.s32 $0xFFFFF380  }
0xa7: {  	[spmem:s1] =	stream.indirect.scatter.add.bf16 [tilespmem:s28], [sflag:$0xD], $0x20, s14, s16, $0xb8;
	[tilespmem:$0x16680] =	vst v63  }
0xa8: {  	_ =	swait.ge [sflag:s15], $0xC80  }
0xa9: {  	[sflag:s15] =	ssyncset.done $0x0  }
0xaa: {  	s14 =	sadd.s32 $0x5348, s13;
	[sflag:s15] =	ssyncadd.s32 $0xFFFFF380  }
0xab: {  	[spmem:s1] =	stream.indirect.scatter.add.bf16 [tilespmem:s30], [sflag:$0xE], $0x20, s14, s16, $0xb8;
	[tilespmem:$0x16680] =	vst v63  }
0xac: {  	_ =	swait.ge [sflag:s3], $0xC80  }
0xad: {  	[sflag:s3] =	ssyncset.done $0x0  }
0xae: {  	s14 =	sadd.s32 $0x53B0, s13;
	[sflag:s3] =	ssyncadd.s32 $0xFFFFF380  }
0xaf: {  	[spmem:s1] =	stream.indirect.scatter.add.bf16 [tilespmem:s0], [sflag:$0xF], $0x20, s14, s16, $0xb8;
	[tilespmem:$0x16680] =	vst v63  }
0xb0: {  	_ =	swait.ge [sflag:s2], $0xC80  }
0xb1: {  	[sflag:s2] =	ssyncset.done $0x0  }
0xb2: {  	s14 =	sadd.s32 $0x5418, s13;
	[sflag:s2] =	ssyncadd.s32 $0xFFFFF380  }
0xb3: {  	[spmem:s1] =	stream.indirect.scatter.add.bf16 [tilespmem:s18], [sflag:$0x10], $0x20, s14, s16, $0xb8;
	[tilespmem:$0x16680] =	vst v63  }
0xb4: {  	_ =	swait.ge [sflag:s5], $0xC80  }
0xb5: {  	[sflag:s5] =	ssyncset.done $0x0  }
0xb6: {  	s14 =	sadd.s32 $0x340, s13;
	[sflag:s5] =	ssyncadd.s32 $0xFFFFF380  }
0xb7: {  	[tilespmem:s17], [sflag:$0x1] =	stream.indirect.gather [hbm4b:s7+s16], $0x20, s14, s16, $0xb8;
	[tilespmem:$0x16680] =	vst v63  }
0xb8: {  	_ =	swait.ge [sflag:s6], $0xC80  }
0xb9: {  	[sflag:s6] =	ssyncset.done $0x0  }
0xba: {  	s14 =	sadd.s32 $0x3A8, s13;
	[sflag:s6] =	ssyncadd.s32 $0xFFFFF380  }
0xbb: {  	[tilespmem:s19], [sflag:$0x2] =	stream.indirect.gather [hbm4b:s7+s16], $0x20, s14, s16, $0xb8;
	[tilespmem:$0x16680] =	vst v63  }
0xbc: {  	_ =	swait.ge [sflag:s8], $0xC80  }
0xbd: {  	[sflag:s8] =	ssyncset.done $0x0  }
0xbe: {  	s14 =	sadd.s32 $0x410, s13;
	[sflag:s8] =	ssyncadd.s32 $0xFFFFF380  }
0xbf: {  	[tilespmem:s21], [sflag:$0x3] =	stream.indirect.gather [hbm4b:s7+s16], $0x20, s14, s16, $0xb8;
	[tilespmem:$0x16680] =	vst v63  }
0xc0: {  	_ =	swait.ge [sflag:s9], $0xC80  }
0xc1: {  	[sflag:s9] =	ssyncset.done $0x0  }
0xc2: {  	s14 =	sadd.s32 $0x478, s13;
	[sflag:s9] =	ssyncadd.s32 $0xFFFFF380  }
0xc3: {  	[tilespmem:s24], [sflag:$0x4] =	stream.indirect.gather [hbm4b:s7+s16], $0x20, s14, s16, $0xb8;
	[tilespmem:$0x16680] =	vst v63  }
0xc4: {  	_ =	swait.ge [sflag:s10], $0xC80  }
0xc5: {  	[sflag:s10] =	ssyncset.done $0x0  }
0xc6: {  	s14 =	sadd.s32 $0x4E0, s13;
	[sflag:s10] =	ssyncadd.s32 $0xFFFFF380  }
0xc7: {  	[tilespmem:s28], [sflag:$0x5] =	stream.indirect.gather [hbm4b:s7+s16], $0x20, s14, s16, $0xb8;
	[tilespmem:$0x16680] =	vst v63  }
0xc8: {  	_ =	swait.ge [sflag:s11], $0xC80  }
0xc9: {  	[sflag:s11] =	ssyncset.done $0x0  }
0xca: {  	s14 =	sadd.s32 $0x548, s13;
	[sflag:s11] =	ssyncadd.s32 $0xFFFFF380  }
0xcb: {  	[tilespmem:s30], [sflag:$0x6] =	stream.indirect.gather [hbm4b:s7+s16], $0x20, s14, s16, $0xb8;
	[tilespmem:$0x16680] =	vst v63  }
0xcc: {  	_ =	swait.ge [sflag:s12], $0xC80  }
0xcd: {  	[sflag:s12] =	ssyncset.done $0x0  }
.Ltmp1:
0xce: {  	s14 =	sadd.s32 $0x5B0, s13;
	[sflag:s12] =	ssyncadd.s32 $0xFFFFF380;
	(pc) =	sbr.rel @p0 .LBB2_4-.Ltmp1, $4  }
0xcf: {  	[tilespmem:s0], [sflag:$0x7] =	stream.indirect.gather [hbm4b:s7+s16], $0x20, s14, s16, $0xb8;
	[tilespmem:$0x16680] =	vst v63  }
0xd0: {  	_ =	swait.ge [sflag:s23], $0xC80  }
0xd1: {  	[sflag:s23] =	ssyncset.done $0x0  }
0xd2: {  	s13 =	sadd.s32 $0x618, s13;
	[sflag:s23] =	ssyncadd.s32 $0xFFFFF380  }
0xd3: {  	[tilespmem:s18], [sflag:$0x8] =	stream.indirect.gather [hbm4b:s7+s16], $0x20, s13, s16, $0xb8;
	[tilespmem:$0x16680] =	vst v63  }
0xd4: {  	_ =	swait.ge [sflag:s20], $0xC80  }
0xd5: {  	[sflag:s20] =	ssyncset.done $0x0  }
0xd6: {  	s4 =	simm.s32 $0x9F40;
	[sflag:s20] =	ssyncadd.s32 $0xFFFFF380  }
0xd7: {  	[spmem:s1] =	stream.indirect.scatter.add.bf16 [tilespmem:s17], [sflag:$0x9], $0x20, s4, s16, $0xb8;
	[tilespmem:$0x16680] =	vst v63  }
0xd8: {  	_ =	swait.ge [sflag:s22], $0xC80  }
0xd9: {  	[sflag:s22] =	ssyncset.done $0x0  }
0xda: {  	s13 =	simm.s32 $0x9FA8;
	[sflag:s22] =	ssyncadd.s32 $0xFFFFF380  }
0xdb: {  	[spmem:s1] =	stream.indirect.scatter.add.bf16 [tilespmem:s19], [sflag:$0xA], $0x20, s13, s16, $0xb8;
	[tilespmem:$0x16680] =	vst v63  }
0xdc: {  	_ =	swait.ge [sflag:s26], $0xC80  }
0xdd: {  	[sflag:s26] =	ssyncset.done $0x0  }
0xde: {  	s14 =	simm.s32 $0xA010;
	[sflag:s26] =	ssyncadd.s32 $0xFFFFF380  }
0xdf: {  	[spmem:s1] =	stream.indirect.scatter.add.bf16 [tilespmem:s21], [sflag:$0xB], $0x20, s14, s16, $0xb8;
	[tilespmem:$0x16680] =	vst v63  }
0xe0: {  	_ =	swait.ge [sflag:s29], $0xC80  }
0xe1: {  	[sflag:s29] =	ssyncset.done $0x0  }
0xe2: {  	s13 =	simm.s32 $0xA078;
	[sflag:s29] =	ssyncadd.s32 $0xFFFFF380  }
0xe3: {  	[spmem:s1] =	stream.indirect.scatter.add.bf16 [tilespmem:s24], [sflag:$0xC], $0x20, s13, s16, $0xb8;
	[tilespmem:$0x16680] =	vst v63  }
0xe4: {  	_ =	swait.ge [sflag:s31], $0xC80  }
0xe5: {  	[sflag:s31] =	ssyncset.done $0x0  }
0xe6: {  	s14 =	simm.s32 $0xA0E0;
	[sflag:s31] =	ssyncadd.s32 $0xFFFFF380  }
0xe7: {  	[spmem:s1] =	stream.indirect.scatter.add.bf16 [tilespmem:s28], [sflag:$0xD], $0x20, s14, s16, $0xb8;
	[tilespmem:$0x16680] =	vst v63  }
0xe8: {  	_ =	swait.ge [sflag:s15], $0xC80  }
0xe9: {  	[sflag:s15] =	ssyncset.done $0x0  }
0xea: {  	s13 =	simm.s32 $0xA148;
	[sflag:s15] =	ssyncadd.s32 $0xFFFFF380  }
0xeb: {  	[spmem:s1] =	stream.indirect.scatter.add.bf16 [tilespmem:s30], [sflag:$0xE], $0x20, s13, s16, $0xb8;
	[tilespmem:$0x16680] =	vst v63  }
0xec: {  	_ =	swait.ge [sflag:s3], $0xC80  }
0xed: {  	[sflag:s3] =	ssyncset.done $0x0  }
0xee: {  	s14 =	simm.s32 $0xA1B0;
	[sflag:s3] =	ssyncadd.s32 $0xFFFFF380  }
0xef: {  	[spmem:s1] =	stream.indirect.scatter.add.bf16 [tilespmem:s0], [sflag:$0xF], $0x20, s14, s16, $0xb8;
	[tilespmem:$0x16680] =	vst v63  }
0xf0: {  	_ =	swait.ge [sflag:s2], $0xC80  }
0xf1: {  	[sflag:s2] =	ssyncset.done $0x0  }
0xf2: {  	s13 =	simm.s32 $0xA218;
	[sflag:s2] =	ssyncadd.s32 $0xFFFFF380  }
0xf3: {  	[spmem:s1] =	stream.indirect.scatter.add.bf16 [tilespmem:s18], [sflag:$0x10], $0x20, s13, s16, $0xb8;
	[tilespmem:$0x16680] =	vst v63  }
0xf4: {  	_ =	swait.ge [sflag:s5], $0xC80  }
0xf5: {  	[sflag:s5] =	ssyncset.done $0x0  }
0xf6: {  	[sflag:s5] =	ssyncadd.s32 $0xFFFFF380  }
0xf7: {  	_ =	swait.ge [sflag:s6], $0xC80  }
0xf8: {  	[sflag:s6] =	ssyncset.done $0x0  }
0xf9: {  	[sflag:s6] =	ssyncadd.s32 $0xFFFFF380  }
0xfa: {  	_ =	swait.ge [sflag:s8], $0xC80  }
0xfb: {  	[sflag:s8] =	ssyncset.done $0x0  }
0xfc: {  	[sflag:s8] =	ssyncadd.s32 $0xFFFFF380  }
0xfd: {  	_ =	swait.ge [sflag:s9], $0xC80  }
0xfe: {  	[sflag:s9] =	ssyncset.done $0x0  }
0xff: {  	[sflag:s9] =	ssyncadd.s32 $0xFFFFF380  }
0x100: {  	_ =	swait.ge [sflag:s10], $0xC80  }
0x101: {  	[sflag:s10] =	ssyncset.done $0x0  }
0x102: {  	[sflag:s10] =	ssyncadd.s32 $0xFFFFF380  }
0x103: {  	_ =	swait.ge [sflag:s11], $0xC80  }
0x104: {  	[sflag:s11] =	ssyncset.done $0x0  }
0x105: {  	[sflag:s11] =	ssyncadd.s32 $0xFFFFF380  }
0x106: {  	_ =	swait.ge [sflag:s12], $0xC80  }
0x107: {  	[sflag:s12] =	ssyncset.done $0x0  }
0x108: {  	[sflag:s12] =	ssyncadd.s32 $0xFFFFF380  }
0x109: {  	_ =	swait.ge [sflag:s23], $0xC80  }
0x10a: {  	[sflag:s23] =	ssyncset.done $0x0  }
0x10b: {  	[sflag:s23] =	ssyncadd.s32 $0xFFFFF380  }
0x10c: {  	s14 =	stileid.u32;
	[bflag:$0x0] =	sbarrier.arrive $0xFFFF  }
0x10d: {  	s4 =	sshll.u32 s14, $0x6;
	s13 =	rddreg [dreg:$0xc]  }
0x10e: {  	s4 =	sor.u32 $0x1C11, s4;
	s14 =	rddreg [dreg:$0xd]  }
0x10f: {  	[hbm:s13], [sflag:s4] =	dma.local [spmem:s14], $0xA00  }
0x110: {  	_ =	swait.ge [sflag:s25], $0xA00  }
0x111: {  	s4 =	rddreg [dreg:$0xe]  }
0x112: {  	s14 =	rddreg [dreg:$0x7];
	s13 =	sadd.s32 $0x1, s4  }
0x113: {  	p0 =	sne.s32 s13, s14  }
.Ltmp2:
0x114: {  	_ = 	snop;
	(pc) =	sbr.rel @p0 .LBB2_1-.Ltmp2, $3  }
0x115: {  	_ =	sdelay $0x1  }
0x116: {  	[sflag:s25] =	ssyncset.done $0x0  }
0x117: {  	[sflag:s25] =	ssyncadd.s32 $0xFFFFF600  }
0x118: {  	_ =	sfence.sel $0x180000  }
0x119: {  	[bflag:$0x0] =	sbarrier.arrive $0xFFFF  }
0x11a: {  	_ =	strace $0x90000047  }
0x11b: {  	s0 =	stileid.u32;
	[bflag:$0x2] =	sbarrier.arrive $0xFFFF  }
0x11c: {  	p0 =	sne.s32 s0, $0x0;
	s0 =	rddreg [dreg:$0x3]  }
0x11d: {  	s0 =	sadd.s32 @!p0 $0x100000, s0  }
0x11e: {  	[sflag:s0] =	ssyncadd.tile.s32 @!p0 $0x1;
	_ =	shalt  }
.Lfunc_end2:
_tile_overlayer_lowered:
.L_overlay_start_2:
0x11f: {  	(tag) =	ssettag $0x2  }
0x120: {  	s0 =	rddreg [dreg:$0x0];
	s2 =	stileid.u32  }
0x121: {  	s1 =	rddreg [dreg:$0x1];
	p0 =	sne.s32 s2, $0x0  }
0x122: {  	s3 =	rddreg [dreg:$0x2];
	[bflag:$0x3] =	sbarrier.arrive $0xFFFF;
	s2 =	simm.s32 @!p0 $0x1C11  }
0x123: {  	[timem:s3], [sflag:s2] =	dma.local @!p0 [hbm:s0], s1  }
0x124: {  	s0 =	simm.s32 @!p0 $0x11  }
0x125: {  	_ =	swait.ge @!p0 [sflag:s0], s1  }
0x126: {  	s1 =	ssub.s32 @!p0 $0x0, s1;
	[sflag:s0] =	ssyncset.done @!p0 $0x0  }
0x127: {  	[sflag:s0] =	ssyncadd.s32 @!p0 s1  }
0x128: {  	[bflag:$0x3] =	sbarrier.arrive $0xFFFF  }
0x129: {  	_ =	shalt  }

</sc_bundles>
